<compile_context>
chip_gen: v7x
topology: tpu7x:2x2x1
jax: 0.10.2.dev20260603
libtpu: 0.0.44.dev20260713+nightly
codegen_flags: <defaults>
</compile_context>

<pallas_src>
import functools
import math

import jax
import jax.numpy as jnp
import numpy as np
from jax import lax
from jax.experimental import pallas as pl
from jax.experimental.pallas import tpu as pltpu

_SIZES = [32.0, 64.0, 128.0, 256.0, 512.0]
_RATIOS = [0.5, 1.0, 2.0]
_STRIDE = 16
_PRE_NMS = 6000
_POST_NMS = 1000
_RPN_NMS_T = 0.7
_NUM_CLASSES = 1600
_FINAL_K = 100
_FINAL_NMS_T = 0.5
_POOL_S = 4
_SCALE_CLAMP = math.log(1000.0 / 16.0)
_NEG = -1e30
_HP = jax.lax.Precision.HIGHEST


def _np_anchors(Hf, Wf, stride):
    sizes = np.asarray(_SIZES, np.float32)
    ratios = np.asarray(_RATIOS, np.float32)
    ws = (sizes[:, None] / np.sqrt(ratios)[None, :]).reshape(-1)
    hs = (sizes[:, None] * np.sqrt(ratios)[None, :]).reshape(-1)
    sx = (np.arange(Wf, dtype=np.float32) + np.float32(0.5)) * np.float32(stride)
    sy = (np.arange(Hf, dtype=np.float32) + np.float32(0.5)) * np.float32(stride)
    cy, cx = np.meshgrid(sy, sx, indexing="ij")
    cx = cx[:, :, None].astype(np.float32)
    cy = cy[:, :, None].astype(np.float32)
    x1 = cx - np.float32(0.5) * ws
    y1 = cy - np.float32(0.5) * hs
    x2 = cx + np.float32(0.5) * ws
    y2 = cy + np.float32(0.5) * hs
    a = np.stack([x1, y1, x2, y2], axis=-1).reshape(-1, 4).astype(np.float32)
    w = a[:, 2] - a[:, 0]
    h = a[:, 3] - a[:, 1]
    acx = a[:, 0] + np.float32(0.5) * w
    acy = a[:, 1] + np.float32(0.5) * h
    return w, h, acx, acy



def _k1_body(x_ref, w_ref, wod_ref, brpn_ref, bod_ref, od_ref, acc_ref):
    k = pl.program_id(0)
    nk = pl.num_programs(0)

    @pl.when(k == 0)
    def _():
        acc_ref[...] = jnp.zeros_like(acc_ref)

    acc_ref[...] += jax.lax.dot_general(
        x_ref[...], w_ref[...], (((1,), (0,)), ((), ())),
        preferred_element_type=jnp.float32)

    @pl.when(k == nk - 1)
    def _():
        t = jnp.maximum(acc_ref[...] + brpn_ref[...], 0.0)
        od_ref[...] = jax.lax.dot_general(
            t, wod_ref[...], (((1,), (0,)), ((), ())),
            preferred_element_type=jnp.float32) + bod_ref[...]


def _k1(x_col, w_mat, wod, brpn, bod):
    nk = x_col.shape[1] // 1024
    return pl.pallas_call(
        _k1_body,
        grid=(nk,),
        in_specs=[
            pl.BlockSpec((1024, 1024), lambda k: (0, k)),
            pl.BlockSpec((1024, 1024), lambda k: (k, 0)),
            pl.BlockSpec((1024, 128), lambda k: (0, 0)),
            pl.BlockSpec((1, 1024), lambda k: (0, 0)),
            pl.BlockSpec((1, 128), lambda k: (0, 0)),
        ],
        out_specs=pl.BlockSpec((1024, 128), lambda k: (0, 0)),
        out_shape=jax.ShapeDtypeStruct((1024, 128), jnp.float32),
        scratch_shapes=[pltpu.VMEM((1024, 1024), jnp.float32)],
    )(x_col, w_mat, wod, brpn, bod)



def _k3_body(obj_ref, d0_ref, d1_ref, d2_ref, d3_ref,
             aw_ref, ah_ref, acx_ref, acy_ref, hw_ref,
             px1_ref, py1_ref, px2_ref, py2_ref):
    h_img = hw_ref[0, 0]
    w_img = hw_ref[0, 1]
    obj = obj_ref[...]
    aw = aw_ref[...]
    ah = ah_ref[...]
    acx = acx_ref[...]
    acy = acy_ref[...]
    dw = jnp.minimum(d2_ref[...], _SCALE_CLAMP)
    dh = jnp.minimum(d3_ref[...], _SCALE_CLAMP)
    pcx = d0_ref[...] * aw + acx
    pcy = d1_ref[...] * ah + acy
    pw = jnp.exp(dw) * aw
    ph = jnp.exp(dh) * ah
    x1 = jnp.minimum(jnp.maximum(pcx - 0.5 * pw, 0.0), w_img)
    y1 = jnp.minimum(jnp.maximum(pcy - 0.5 * ph, 0.0), h_img)
    x2 = jnp.minimum(jnp.maximum(pcx + 0.5 * pw, 0.0), w_img)
    y2 = jnp.minimum(jnp.maximum(pcy + 0.5 * ph, 0.0), h_img)
    areas = (x2 - x1) * (y2 - y1)

    sbits = jax.lax.bitcast_convert_type(obj, jnp.int32)
    int_min = jnp.int32(-2147483648)
    key = jnp.where(sbits >= 0, sbits, int_min - sbits)

    def bisect(_, lohi):
        lo, hi = lohi
        mid = (lo >> 1) + (hi >> 1) + (lo & hi & 1)
        cnt = jnp.sum((key >= mid).astype(jnp.int32))
        ge = cnt >= _PRE_NMS
        return jnp.where(ge, mid, lo), jnp.where(ge, hi, mid)

    lo, _ = lax.fori_loop(0, 36, bisect, (int_min, jnp.int32(2147483647)))
    eligible = key >= lo

    iota = (lax.broadcasted_iota(jnp.int32, obj.shape, 0) * 128
            + lax.broadcasted_iota(jnp.int32, obj.shape, 1))
    kiota = (lax.broadcasted_iota(jnp.int32, (8, 128), 0) * 128
             + lax.broadcasted_iota(jnp.int32, (8, 128), 1))
    zk = jnp.zeros((8, 128), jnp.float32)
    s0 = jnp.where(eligible, obj, _NEG)

    def nms_step(k, carry):
        s, i0, kx1, ky1, kx2, ky2 = carry
        m = jnp.max(s)
        isel = jnp.min(jnp.where(s == m, iota, jnp.int32(2147483647)))
        isel = jnp.where(m > -1e29, isel, i0)
        i0 = jnp.where(k == 0, isel, i0)
        onehot = iota == isel
        bx1 = jnp.sum(jnp.where(onehot, x1, 0.0))
        by1 = jnp.sum(jnp.where(onehot, y1, 0.0))
        bx2 = jnp.sum(jnp.where(onehot, x2, 0.0))
        by2 = jnp.sum(jnp.where(onehot, y2, 0.0))
        barea = jnp.sum(jnp.where(onehot, areas, 0.0))
        xx1 = jnp.maximum(bx1, x1)
        yy1 = jnp.maximum(by1, y1)
        xx2 = jnp.minimum(bx2, x2)
        yy2 = jnp.minimum(by2, y2)
        inter = jnp.maximum(xx2 - xx1, 0.0) * jnp.maximum(yy2 - yy1, 0.0)
        iou = inter / (barea + areas - inter + 1e-9)
        s = jnp.where(iou >= _RPN_NMS_T, _NEG, s)
        s = jnp.where(onehot, _NEG, s)
        ksel = kiota == k
        kx1 = jnp.where(ksel, bx1, kx1)
        ky1 = jnp.where(ksel, by1, ky1)
        kx2 = jnp.where(ksel, bx2, kx2)
        ky2 = jnp.where(ksel, by2, ky2)
        return s, i0, kx1, ky1, kx2, ky2

    _, _, kx1, ky1, kx2, ky2 = lax.fori_loop(
        0, _POST_NMS, nms_step, (s0, jnp.int32(0), zk, zk, zk, zk))
    px1_ref[...] = kx1
    py1_ref[...] = ky1
    px2_ref[...] = kx2
    py2_ref[...] = ky2


def _k3(obj, d0, d1, d2, d3, aw, ah, acx, acy, hw):
    o = jax.ShapeDtypeStruct((8, 128), jnp.float32)
    return pl.pallas_call(
        _k3_body,
        in_specs=[pl.BlockSpec(memory_space=pltpu.VMEM)] * 9
        + [pl.BlockSpec(memory_space=pltpu.SMEM)],
        out_shape=(o, o, o, o),
    )(obj, d0, d1, d2, d3, aw, ah, acx, acy, hw)



def _k4_body(x1_ref, y1_ref, x2_ref, y2_ref, feat_ref, out_ref):
    x1 = x1_ref[...]
    y1 = y1_ref[...]
    x2 = x2_ref[...]
    y2 = y2_ref[...]
    riota = lax.broadcasted_iota(jnp.int32, (1, 1024), 1)
    ycol = (riota // 32).astype(jnp.float32)
    xcol = (riota % 32).astype(jnp.float32)

    def factors(loc, hic, col):
        out = []
        for j in range(_POOL_S):
            g = loc + np.float32((j + 0.5) / _POOL_S) * (hic - loc)
            c = g * np.float32(1.0 / _STRIDE) - 0.5
            c = jnp.minimum(jnp.maximum(c, 0.0), 31.0)
            c0 = jnp.floor(c)
            wc = c - c0
            c1 = jnp.minimum(c0 + 1.0, 31.0)
            out.append((col == c0) * (1.0 - wc) + (col == c1) * wc)
        return out

    rx = factors(x1, x2, xcol)
    ry = factors(y1, y2, ycol)
    wmat = jnp.zeros((128, 1024), jnp.float32)
    for iy in range(_POOL_S):
        for ix in range(_POOL_S):
            wmat = wmat + ry[iy] * rx[ix]
    out_ref[...] = jax.lax.dot_general(
        wmat, feat_ref[...], (((1,), (0,)), ((), ())),
        preferred_element_type=jnp.float32, precision=_HP) * np.float32(1.0 / 16.0)


def _k4(x1c, y1c, x2c, y2c, featpos):
    return pl.pallas_call(
        _k4_body,
        grid=(8,),
        in_specs=[
            pl.BlockSpec((128, 1), lambda i: (i, 0)),
            pl.BlockSpec((128, 1), lambda i: (i, 0)),
            pl.BlockSpec((128, 1), lambda i: (i, 0)),
            pl.BlockSpec((128, 1), lambda i: (i, 0)),
            pl.BlockSpec((1024, 1024), lambda i: (0, 0)),
        ],
        out_specs=pl.BlockSpec((128, 1024), lambda i: (i, 0)),
        out_shape=jax.ShapeDtypeStruct((1024, 1024), jnp.float32),
    )(x1c, y1c, x2c, y2c, featpos)



def _k5a_body(p_ref, w_ref, b_ref, probs_ref, sc2_ref, d2_ref):
    logits = jax.lax.dot_general(
        p_ref[...], w_ref[...], (((1,), (0,)), ((), ())),
        preferred_element_type=jnp.float32) + b_ref[...]
    ci = lax.broadcasted_iota(jnp.int32, logits.shape, 1)
    valid = ci < (_NUM_CLASSES + 1)
    lm = jnp.where(valid, logits, _NEG)
    mx = jnp.max(lm, axis=1, keepdims=True)
    e = jnp.exp(lm - mx)
    probs = e / jnp.sum(e, axis=1, keepdims=True)
    probs_ref[...] = probs
    sc2_ref[...] = jnp.max(
        jnp.where(ci < _NUM_CLASSES, probs, -1.0), axis=1, keepdims=True)
    d2_ref[...] = logits[:, 1664:1792]


def _k5a(pooled, w_all, b_all):
    return pl.pallas_call(
        _k5a_body,
        grid=(8,),
        in_specs=[
            pl.BlockSpec((128, 1024), lambda i: (i, 0)),
            pl.BlockSpec((1024, 1792), lambda i: (0, 0)),
            pl.BlockSpec((1, 1792), lambda i: (0, 0)),
        ],
        out_specs=(
            pl.BlockSpec((128, 1792), lambda i: (i, 0)),
            pl.BlockSpec((128, 1), lambda i: (i, 0)),
            pl.BlockSpec((128, 128), lambda i: (i, 0)),
        ),
        out_shape=(
            jax.ShapeDtypeStruct((1024, 1792), jnp.float32),
            jax.ShapeDtypeStruct((1024, 1), jnp.float32),
            jax.ShapeDtypeStruct((1024, 128), jnp.float32),
        ),
    )(pooled, w_all, b_all)



def _k5b_body(sc_ref, dx_ref, dy_ref, dw_ref, dh_ref,
              px1_ref, py1_ref, px2_ref, py2_ref, hw_ref,
              sel_ref, kx1_ref, ky1_ref, kx2_ref, ky2_ref):
    h_img = hw_ref[0, 0]
    w_img = hw_ref[0, 1]
    w = px2_ref[...] - px1_ref[...]
    h = py2_ref[...] - py1_ref[...]
    cx = px1_ref[...] + 0.5 * w
    cy = py1_ref[...] + 0.5 * h
    dw = jnp.minimum(dw_ref[...], _SCALE_CLAMP)
    dh = jnp.minimum(dh_ref[...], _SCALE_CLAMP)
    pcx = dx_ref[...] * w + cx
    pcy = dy_ref[...] * h + cy
    pw = jnp.exp(dw) * w
    ph = jnp.exp(dh) * h
    x1 = jnp.minimum(jnp.maximum(pcx - 0.5 * pw, 0.0), w_img)
    y1 = jnp.minimum(jnp.maximum(pcy - 0.5 * ph, 0.0), h_img)
    x2 = jnp.minimum(jnp.maximum(pcx + 0.5 * pw, 0.0), w_img)
    y2 = jnp.minimum(jnp.maximum(pcy + 0.5 * ph, 0.0), h_img)
    areas = (x2 - x1) * (y2 - y1)

    niota = (lax.broadcasted_iota(jnp.int32, (8, 128), 0) * 128
             + lax.broadcasted_iota(jnp.int32, (8, 128), 1))
    s0 = jnp.where(niota < _POST_NMS, sc_ref[...], _NEG)
    zk = jnp.zeros((8, 128), jnp.float32)

    def nms_step(k, carry):
        s, sel, kx1, ky1, kx2, ky2 = carry
        m = jnp.max(s)
        isel = jnp.min(jnp.where(s == m, niota, jnp.int32(2147483647)))
        onehot = niota == isel
        bx1 = jnp.sum(jnp.where(onehot, x1, 0.0))
        by1 = jnp.sum(jnp.where(onehot, y1, 0.0))
        bx2 = jnp.sum(jnp.where(onehot, x2, 0.0))
        by2 = jnp.sum(jnp.where(onehot, y2, 0.0))
        barea = jnp.sum(jnp.where(onehot, areas, 0.0))
        xx1 = jnp.maximum(bx1, x1)
        yy1 = jnp.maximum(by1, y1)
        xx2 = jnp.minimum(bx2, x2)
        yy2 = jnp.minimum(by2, y2)
        inter = jnp.maximum(xx2 - xx1, 0.0) * jnp.maximum(yy2 - yy1, 0.0)
        iou = inter / (barea + areas - inter + 1e-9)
        s = jnp.where(iou >= _FINAL_NMS_T, _NEG, s)
        s = jnp.where(onehot, _NEG, s)
        ksel = niota == k
        sel = jnp.where(ksel, isel, sel)
        kx1 = jnp.where(ksel, bx1, kx1)
        ky1 = jnp.where(ksel, by1, ky1)
        kx2 = jnp.where(ksel, bx2, kx2)
        ky2 = jnp.where(ksel, by2, ky2)
        return s, sel, kx1, ky1, kx2, ky2

    _, sel, kx1, ky1, kx2, ky2 = lax.fori_loop(
        0, _FINAL_K, nms_step,
        (s0, jnp.zeros((8, 128), jnp.int32), zk, zk, zk, zk))
    sel_ref[...] = sel
    kx1_ref[...] = kx1
    ky1_ref[...] = ky1
    kx2_ref[...] = kx2
    ky2_ref[...] = ky2


def _k5b(sc2v, dxv, dyv, dwv, dhv, px1, py1, px2, py2, hw):
    of = jax.ShapeDtypeStruct((8, 128), jnp.float32)
    oi = jax.ShapeDtypeStruct((8, 128), jnp.int32)
    return pl.pallas_call(
        _k5b_body,
        in_specs=[pl.BlockSpec(memory_space=pltpu.VMEM)] * 9
        + [pl.BlockSpec(memory_space=pltpu.SMEM)],
        out_shape=(oi, of, of, of, of),
    )(sc2v, dxv, dyv, dwv, dhv, px1, py1, px2, py2, hw)



def _k6_body(sel_ref, pooled_ref, probs_ref, o1_ref, o2_ref):
    niota = lax.broadcasted_iota(jnp.int32, (128, 1024), 1)
    g = (niota == sel_ref[...]).astype(jnp.float32)
    o1_ref[...] = jax.lax.dot_general(
        g, pooled_ref[...], (((1,), (0,)), ((), ())),
        preferred_element_type=jnp.float32, precision=_HP)
    o2_ref[...] = jax.lax.dot_general(
        g, probs_ref[...], (((1,), (0,)), ((), ())),
        preferred_element_type=jnp.float32, precision=_HP)


def _k6(selcol, pooled, probs):
    return pl.pallas_call(
        _k6_body,
        out_shape=(
            jax.ShapeDtypeStruct((128, 1024), jnp.float32),
            jax.ShapeDtypeStruct((128, 1792), jnp.float32),
        ),
    )(selcol, pooled, probs)



def kernel(raw_images, image_sizes, featurized_images, rpn_conv_w, rpn_conv_b,
           rpn_obj_w, rpn_obj_b, rpn_delta_w, rpn_delta_b, w_cls, b_cls,
           w_bbox, b_bbox):
    del raw_images
    Hf, Wf = featurized_images.shape[2], featurized_images.shape[3]
    A = len(_SIZES) * len(_RATIOS)
    npos = Hf * Wf
    nanch = npos * A

    f = featurized_images[0]
    fh = jnp.transpose(f, (1, 2, 0))
    fp = jnp.pad(fh, ((1, 1), (1, 1), (0, 0)))
    cols = [fp[dy:dy + Hf, dx:dx + Wf, :] for dy in range(3) for dx in range(3)]
    x_col = jnp.stack(cols, axis=2).reshape(npos, 9 * 1024)
    w_mat = jnp.transpose(rpn_conv_w, (2, 3, 1, 0)).reshape(9 * 1024, 1024)
    wod = jnp.concatenate([
        rpn_obj_w.reshape(A, 1024).T,
        rpn_delta_w.reshape(4 * A, 1024).T,
        jnp.zeros((1024, 128 - 5 * A), jnp.float32)], axis=1)
    bod = jnp.concatenate([
        rpn_obj_b, rpn_delta_b, jnp.zeros((128 - 5 * A,), jnp.float32)
    ]).reshape(1, 128)
    od = _k1(x_col, w_mat, wod, rpn_conv_b.reshape(1, 1024), bod)

    obj = od[:, :A].reshape(nanch // 128, 128)
    dmat = od[:, A:5 * A].reshape(npos, A, 4)
    dsplit = [dmat[:, :, j].reshape(nanch // 128, 128) for j in range(4)]

    aw, ah, acx, acy = _np_anchors(Hf, Wf, _STRIDE)
    awj, ahj, acxj, acyj = (jnp.asarray(v.reshape(nanch // 128, 128))
                            for v in (aw, ah, acx, acy))
    hw = image_sizes.astype(jnp.float32).reshape(1, 2)

    px1, py1, px2, py2 = _k3(obj, *dsplit, awj, ahj, acxj, acyj, hw)

    featpos = f.reshape(1024, npos).T
    pcols = [v.reshape(1024, 1) for v in (px1, py1, px2, py2)]
    pooled = _k4(*pcols, featpos)

    w_all = jnp.concatenate([
        w_cls, jnp.zeros((1024, 1664 - (_NUM_CLASSES + 1)), jnp.float32),
        w_bbox, jnp.zeros((1024, 124), jnp.float32)], axis=1)
    b_all = jnp.concatenate([
        b_cls, jnp.zeros((1664 - (_NUM_CLASSES + 1),), jnp.float32),
        b_bbox, jnp.zeros((124,), jnp.float32)]).reshape(1, 1792)
    probs, sc2col, d2col = _k5a(pooled, w_all, b_all)

    sc2v = sc2col.reshape(8, 128)
    dvs = [d2col[:, j].reshape(8, 128) for j in range(4)]
    sel, kx1, ky1, kx2, ky2 = _k5b(sc2v, *dvs, px1, py1, px2, py2, hw)

    selcol = sel.reshape(1024)[:128].reshape(128, 1)
    o1, o2 = _k6(selcol, pooled, probs)

    out_pooled = o1[:_FINAL_K, :]
    out_boxes = jnp.stack([v.reshape(1024)[:_FINAL_K]
                           for v in (kx1, ky1, kx2, ky2)], axis=1)
    out_probs = o2[:_FINAL_K, :_NUM_CLASSES]
    return out_pooled, out_boxes, out_probs

# --- scband reference (transcript-rebuilt; emitter-appended) ---
"""Pipeline reference for scband-faster-rcnnproposal-generator-53042846105700 (READ-ONLY COPY).

The authoritative reference and input builder live on the scoring server;
editing this copy changes nothing except your own understanding.
"""

import math
import jax, jax.numpy as jnp
import numpy as np
from jax import lax

SIZES = [32.0, 64.0, 128.0, 256.0, 512.0]
RATIOS = [0.5, 1.0, 2.0]
STRIDE = 16
PRE_NMS = 6000
POST_NMS = 1000
RPN_NMS_T = 0.7
NUM_CLASSES = 1600
FINAL_K = 100
FINAL_NMS_T = 0.5
POOL_S = 4
SCALE_CLAMP = math.log(1000.0 / 16.0)


def conv(x, w, b):
    y = lax.conv_general_dilated(x, w, (1, 1), 'SAME', dimension_numbers=('NCHW', 'OIHW', 'NCHW'))
    return y + b[None, :, None, None]


def gen_anchors(Hf, Wf, stride):
    sizes = jnp.array(SIZES, jnp.float32)
    ratios = jnp.array(RATIOS, jnp.float32)
    ws = (sizes[:, None] / jnp.sqrt(ratios)[None, :]).reshape(-1)
    hs = (sizes[:, None] * jnp.sqrt(ratios)[None, :]).reshape(-1)
    sx = (jnp.arange(Wf, dtype=jnp.float32) + 0.5) * stride
    sy = (jnp.arange(Hf, dtype=jnp.float32) + 0.5) * stride
    cy, cx = jnp.meshgrid(sy, sx, indexing='ij')
    cx = cx[:, :, None]
    cy = cy[:, :, None]
    x1 = cx - 0.5 * ws
    y1 = cy - 0.5 * hs
    x2 = cx + 0.5 * ws
    y2 = cy + 0.5 * hs
    return jnp.stack([x1, y1, x2, y2], axis=-1).reshape(-1, 4)


def decode(deltas, boxes):
    w = boxes[:, 2] - boxes[:, 0]
    h = boxes[:, 3] - boxes[:, 1]
    cx = boxes[:, 0] + 0.5 * w
    cy = boxes[:, 1] + 0.5 * h
    dx, dy, dw, dh = deltas[:, 0], deltas[:, 1], deltas[:, 2], deltas[:, 3]
    dw = jnp.minimum(dw, SCALE_CLAMP)
    dh = jnp.minimum(dh, SCALE_CLAMP)
    pcx = dx * w + cx
    pcy = dy * h + cy
    pw = jnp.exp(dw) * w
    ph = jnp.exp(dh) * h
    return jnp.stack([pcx - 0.5 * pw, pcy - 0.5 * ph, pcx + 0.5 * pw, pcy + 0.5 * ph], axis=1)


def clip_boxes(b, h, w):
    return jnp.stack([jnp.clip(b[:, 0], 0.0, w), jnp.clip(b[:, 1], 0.0, h), jnp.clip(b[:, 2], 0.0, w), jnp.clip(b[:, 3], 0.0, h)], axis=1)


def nms(boxes, scores, thresh, num_out):
    areas = (boxes[:, 2] - boxes[:, 0]) * (boxes[:, 3] - boxes[:, 1])
    def body(s, _):
        i = jnp.argmax(s)
        b = boxes[i]
        xx1 = jnp.maximum(b[0], boxes[:, 0])
        yy1 = jnp.maximum(b[1], boxes[:, 1])
        xx2 = jnp.minimum(b[2], boxes[:, 2])
        yy2 = jnp.minimum(b[3], boxes[:, 3])
        inter = jnp.clip(xx2 - xx1, 0.0) * jnp.clip(yy2 - yy1, 0.0)
        iou = inter / (areas[i] + areas - inter + 1e-9)
        s2 = jnp.where(iou >= thresh, -1e30, s).at[i].set(-1e30)
        return s2, i
    _, idx = lax.scan(body, scores, None, length=num_out)
    return idx


def roi_align(feat_hwc, boxes, S, stride):
    H, W, C = feat_hwc.shape
    N = boxes.shape[0]
    x1, y1, x2, y2 = boxes[:, 0], boxes[:, 1], boxes[:, 2], boxes[:, 3]
    gx = x1[:, None] + (jnp.arange(S, dtype=jnp.float32) + 0.5) / S * (x2 - x1)[:, None]
    gy = y1[:, None] + (jnp.arange(S, dtype=jnp.float32) + 0.5) / S * (y2 - y1)[:, None]
    xs = jnp.broadcast_to(gx[:, None, :] / stride - 0.5, (N, S, S))
    ys = jnp.broadcast_to(gy[:, :, None] / stride - 0.5, (N, S, S))
    x = jnp.clip(xs, 0.0, W - 1.0)
    y = jnp.clip(ys, 0.0, H - 1.0)
    x0 = jnp.floor(x).astype(jnp.int32)
    y0 = jnp.floor(y).astype(jnp.int32)
    x1i = jnp.minimum(x0 + 1, W - 1)
    y1i = jnp.minimum(y0 + 1, H - 1)
    wx = x - x0
    wy = y - y0
    f00 = feat_hwc[y0, x0]
    f01 = feat_hwc[y0, x1i]
    f10 = feat_hwc[y1i, x0]
    f11 = feat_hwc[y1i, x1i]
    out = (f00 * ((1 - wy) * (1 - wx))[..., None] + f01 * ((1 - wy) * wx)[..., None] + f10 * (wy * (1 - wx))[..., None] + f11 * (wy * wx)[..., None])
    return out.mean(axis=(1, 2))


def _forward(raw_images, image_sizes, featurized_images, rpn_conv_w, rpn_conv_b, rpn_obj_w, rpn_obj_b, rpn_delta_w, rpn_delta_b, w_cls, b_cls, w_bbox, b_bbox):
    feat = featurized_images
    Hf, Wf = feat.shape[2], feat.shape[3]
    A = len(SIZES) * len(RATIOS)
    t = jax.nn.relu(conv(feat, rpn_conv_w, rpn_conv_b))
    obj = conv(t, rpn_obj_w, rpn_obj_b)
    deltas = conv(t, rpn_delta_w, rpn_delta_b)
    obj_flat = obj[0].transpose(1, 2, 0).reshape(-1)
    d_flat = deltas[0].reshape(A, 4, Hf, Wf).transpose(2, 3, 0, 1).reshape(-1, 4)
    anchors = gen_anchors(Hf, Wf, STRIDE)
    prop = decode(d_flat, anchors)
    h_img = image_sizes[0, 0].astype(jnp.float32)
    w_img = image_sizes[0, 1].astype(jnp.float32)
    prop = clip_boxes(prop, h_img, w_img)
    sc_top, idx = lax.top_k(obj_flat, PRE_NMS)
    boxes_top = prop[idx]
    keep = nms(lax.stop_gradient(boxes_top), lax.stop_gradient(sc_top), RPN_NMS_T, POST_NMS)
    proposals = boxes_top[keep]
    pooled = roi_align(feat[0].transpose(1, 2, 0), proposals, POOL_S, STRIDE)
    logits = pooled @ w_cls + b_cls
    probs = jax.nn.softmax(logits, axis=-1)[:, :-1]
    d2 = pooled @ w_bbox + b_bbox
    boxes2 = clip_boxes(decode(d2, proposals), h_img, w_img)
    sc2 = jnp.max(probs, axis=-1)
    keep2 = nms(lax.stop_gradient(boxes2), lax.stop_gradient(sc2), FINAL_NMS_T, FINAL_K)
    return pooled[keep2], boxes2[keep2], probs[keep2]


def setup_inputs(seed: int = 0):
    key = jax.random.key(seed)
    ks = jax.random.split(key, 8)
    A = len(SIZES) * len(RATIOS)
    return {
        'raw_images': jax.random.normal(ks[0], (1, 3, 512, 512), jnp.float32),
        'image_sizes': jnp.full((1, 2), 512, dtype=jnp.int32),
        'featurized_images': jax.random.normal(ks[1], (1, 1024, 32, 32), jnp.float32),
        'rpn_conv_w': jax.random.normal(ks[2], (1024, 1024, 3, 3), jnp.float32) * 0.01,
        'rpn_conv_b': jnp.zeros((1024,), jnp.float32),
        'rpn_obj_w': jax.random.normal(ks[3], (A, 1024, 1, 1), jnp.float32) * 0.01,
        'rpn_obj_b': jnp.zeros((A,), jnp.float32),
        'rpn_delta_w': jax.random.normal(ks[4], (4 * A, 1024, 1, 1), jnp.float32) * 0.01,
        'rpn_delta_b': jnp.zeros((4 * A,), jnp.float32),
        'w_cls': jax.random.normal(ks[5], (1024, NUM_CLASSES + 1), jnp.float32) * 0.01,
        'b_cls': jnp.zeros((NUM_CLASSES + 1,), jnp.float32),
        'w_bbox': jax.random.normal(ks[6], (1024, 4), jnp.float32) * 0.01,
        'b_bbox': jnp.zeros((4,), jnp.float32),
    }


def reference(raw_images, image_sizes, featurized_images, rpn_conv_w, rpn_conv_b, rpn_obj_w, rpn_obj_b, rpn_delta_w, rpn_delta_b, w_cls, b_cls, w_bbox, b_bbox):
    return _forward(raw_images, image_sizes, featurized_images, rpn_conv_w, rpn_conv_b, rpn_obj_w, rpn_obj_b, rpn_delta_w, rpn_delta_b, w_cls, b_cls, w_bbox, b_bbox)

if __name__ == "__main__":
    import jax
    _d = setup_inputs()
    print(jax.jit(kernel)(*tuple(_d.values())))

</pallas_src>

<mosaic_0001>
module attributes {stable_mosaic.version = 14 : i64} {
  func.func @_k1_body(%arg0: i32, %arg1: memref<1024x1024xf32, #tpu.memory_space<vmem>>, %arg2: memref<1024x1024xf32, #tpu.memory_space<vmem>>, %arg3: memref<1024x128xf32, #tpu.memory_space<vmem>>, %arg4: memref<1x1024xf32, #tpu.memory_space<vmem>>, %arg5: memref<1x128xf32, #tpu.memory_space<vmem>>, %arg6: memref<1024x128xf32, #tpu.memory_space<vmem>>, %arg7: memref<1024x1024xf32, #tpu.memory_space<vmem>>) attributes {dimension_semantics = [#tpu.dimension_semantics<arbitrary>], iteration_bounds = array<i64: 9>, scalar_prefetch = 0 : i64, scratch_operands = 1 : i64, tpu.core_type = #tpu.core_type<tc>, window_params = [{transform_indices = @transform_0, window_bounds = array<i64: 1024, 1024>}, {transform_indices = @transform_1, window_bounds = array<i64: 1024, 1024>}, {pipeline_mode = #tpu.pipeline_mode<synchronous>, transform_indices = @transform_2, window_bounds = array<i64: 1024, 128>}, {pipeline_mode = #tpu.pipeline_mode<synchronous>, transform_indices = @transform_3, window_bounds = array<i64: 1, 1024>}, {pipeline_mode = #tpu.pipeline_mode<synchronous>, transform_indices = @transform_4, window_bounds = array<i64: 1, 128>}, {pipeline_mode = #tpu.pipeline_mode<synchronous>, transform_indices = @transform_5, window_bounds = array<i64: 1024, 128>}]} {
    %eq3A = arith.constant 0 : i32
    %eq3A_0 = arith.cmpi eq, %arg0, %eq3A : i32
    %convert_element_type3A = arith.extui %eq3A_0 : i1 to i32
    %cond3A = arith.constant 0 : i32
    %cond3A_1 = arith.cmpi ne, %convert_element_type3A, %cond3A : i32
    scf.if %cond3A_1 {
      %broadcast_in_dim3A = arith.constant 0.000000e+00 : f32
      %broadcast_in_dim3A_18 = vector.broadcast %broadcast_in_dim3A : f32 to vector<1024x1024xf32>
      %swap3A_19 = arith.constant 0 : index
      %swap3A_20 = arith.constant 0 : index
      %swap3A_21 = vector.load %arg7[%swap3A_19, %swap3A_20] : memref<1024x1024xf32, #tpu.memory_space<vmem>>, vector<1024x1024xf32>
      tpu.vector_store %arg7[%swap3A_19, %swap3A_20], %broadcast_in_dim3A_18 {strides = array<i32>} : memref<1024x1024xf32, #tpu.memory_space<vmem>>, vector<1024x1024xf32>,
    } else {
    }
    %get3A = arith.constant 0 : index
    %get3A_2 = arith.constant 0 : index
    %get3A_3 = vector.load %arg7[%get3A, %get3A_2] : memref<1024x1024xf32, #tpu.memory_space<vmem>>, vector<1024x1024xf32>
    %get3A_4 = arith.constant 0 : index
    %get3A_5 = arith.constant 0 : index
    %get3A_6 = vector.load %arg1[%get3A_4, %get3A_5] : memref<1024x1024xf32, #tpu.memory_space<vmem>>, vector<1024x1024xf32>
    %get3A_7 = arith.constant 0 : index
    %get3A_8 = arith.constant 0 : index
    %get3A_9 = vector.load %arg2[%get3A_7, %get3A_8] : memref<1024x1024xf32, #tpu.memory_space<vmem>>, vector<1024x1024xf32>
    %dot_general3A = arith.constant dense<0.000000e+00> : vector<1024x1024xf32>
    %dot_general3A_10 = tpu.matmul %get3A_6, %get3A_9, %dot_general3A {dimension_numbers = #tpu.dot_dimension_numbers<[1], [0], [0], [1], [0, 0, 1, 1], [], []>, transpose_lhs_hint = false} : vector<1024x1024xf32>, vector<1024x1024xf32>, vector<1024x1024xf32> -> vector<1024x1024xf32>
    %add3A = arith.addf %get3A_3, %dot_general3A_10 : vector<1024x1024xf32>
    %swap3A = arith.constant 0 : index
    %swap3A_11 = arith.constant 0 : index
    %swap3A_12 = vector.load %arg7[%swap3A, %swap3A_11] : memref<1024x1024xf32, #tpu.memory_space<vmem>>, vector<1024x1024xf32>
    tpu.vector_store %arg7[%swap3A, %swap3A_11], %add3A {strides = array<i32>} : memref<1024x1024xf32, #tpu.memory_space<vmem>>, vector<1024x1024xf32>,
    %eq3A_13 = arith.constant 8 : i32
    %eq3A_14 = arith.cmpi eq, %arg0, %eq3A_13 : i32
    %convert_element_type3A_15 = arith.extui %eq3A_14 : i1 to i32
    %cond3A_16 = arith.constant 0 : i32
    %cond3A_17 = arith.cmpi ne, %convert_element_type3A_15, %cond3A_16 : i32
    scf.if %cond3A_17 {
      %get3A_18 = arith.constant 0 : index
      %get3A_19 = arith.constant 0 : index
      %get3A_20 = vector.load %arg7[%get3A_18, %get3A_19] : memref<1024x1024xf32, #tpu.memory_space<vmem>>, vector<1024x1024xf32>
      %get3A_21 = arith.constant 0 : index
      %get3A_22 = arith.constant 0 : index
      %get3A_23 = vector.load %arg4[%get3A_21, %get3A_22] : memref<1x1024xf32, #tpu.memory_space<vmem>>, vector<1x1024xf32>
      %add3A_24 = vector.broadcast %get3A_23 : vector<1x1024xf32> to vector<1024x1024xf32>
      %add3A_25 = arith.addf %get3A_20, %add3A_24 : vector<1024x1024xf32>
      %max3A = arith.constant 0.000000e+00 : f32
      %max3A_26 = vector.broadcast %max3A : f32 to vector<1024x1024xf32>
      %max3A_27 = arith.maximumf %add3A_25, %max3A_26 : vector<1024x1024xf32>
      %get3A_28 = arith.constant 0 : index
      %get3A_29 = arith.constant 0 : index
      %get3A_30 = vector.load %arg3[%get3A_28, %get3A_29] : memref<1024x128xf32, #tpu.memory_space<vmem>>, vector<1024x128xf32>
      %dot_general3A_31 = arith.constant dense<0.000000e+00> : vector<1024x128xf32>
      %dot_general3A_32 = tpu.matmul %max3A_27, %get3A_30, %dot_general3A_31 {dimension_numbers = #tpu.dot_dimension_numbers<[1], [0], [0], [1], [0, 0, 1, 1], [], []>, transpose_lhs_hint = false} : vector<1024x1024xf32>, vector<1024x128xf32>, vector<1024x128xf32> -> vector<1024x128xf32>
      %get3A_33 = arith.constant 0 : index
      %get3A_34 = arith.constant 0 : index
      %get3A_35 = vector.load %arg5[%get3A_33, %get3A_34] : memref<1x128xf32, #tpu.memory_space<vmem>>, vector<1x128xf32>
      %add3A_36 = vector.broadcast %get3A_35 : vector<1x128xf32> to vector<1024x128xf32>
      %add3A_37 = arith.addf %dot_general3A_32, %add3A_36 : vector<1024x128xf32>
      %swap3A_38 = arith.constant 0 : index
      %swap3A_39 = arith.constant 0 : index
      %swap3A_40 = vector.load %arg6[%swap3A_38, %swap3A_39] : memref<1024x128xf32, #tpu.memory_space<vmem>>, vector<1024x128xf32>
      tpu.vector_store %arg6[%swap3A_38, %swap3A_39], %add3A_37 {strides = array<i32>} : memref<1024x128xf32, #tpu.memory_space<vmem>>, vector<1024x128xf32>,
    } else {
    }
    return
  }
  func.func @transform_0(%arg0: i32) -> (i32, i32) {
    %c0_i32 = arith.constant 0 : i32
    %c0_i32_0 = arith.constant 0 : i32
    return %c0_i32, %arg0 : i32, i32
  }
  func.func @transform_1(%arg0: i32) -> (i32, i32) {
    %c0_i32 = arith.constant 0 : i32
    %c0_i32_0 = arith.constant 0 : i32
    return %arg0, %c0_i32 : i32, i32
  }
  func.func @transform_2(%arg0: i32) -> (i32, i32) {
    %c0_i32 = arith.constant 0 : i32
    %c0_i32_0 = arith.constant 0 : i32
    %c0_i32_1 = arith.constant 0 : i32
    return %c0_i32, %c0_i32_0 : i32, i32
  }
  func.func @transform_3(%arg0: i32) -> (i32, i32) {
    %c0_i32 = arith.constant 0 : i32
    %c0_i32_0 = arith.constant 0 : i32
    %c0_i32_1 = arith.constant 0 : i32
    return %c0_i32, %c0_i32_0 : i32, i32
  }
  func.func @transform_4(%arg0: i32) -> (i32, i32) {
    %c0_i32 = arith.constant 0 : i32
    %c0_i32_0 = arith.constant 0 : i32
    %c0_i32_1 = arith.constant 0 : i32
    return %c0_i32, %c0_i32_0 : i32, i32
  }
  func.func @transform_5(%arg0: i32) -> (i32, i32) {
    %c0_i32 = arith.constant 0 : i32
    %c0_i32_0 = arith.constant 0 : i32
    %c0_i32_1 = arith.constant 0 : i32
    return %c0_i32, %c0_i32_0 : i32, i32
  }
}

module attributes {stable_mosaic.version = 14 : i64} {
  func.func @_k3_body(%arg0: memref<120x128xf32, #tpu.memory_space<vmem>>, %arg1: memref<120x128xf32, #tpu.memory_space<vmem>>, %arg2: memref<120x128xf32, #tpu.memory_space<vmem>>, %arg3: memref<120x128xf32, #tpu.memory_space<vmem>>, %arg4: memref<120x128xf32, #tpu.memory_space<vmem>>, %arg5: memref<120x128xf32, #tpu.memory_space<vmem>>, %arg6: memref<120x128xf32, #tpu.memory_space<vmem>>, %arg7: memref<120x128xf32, #tpu.memory_space<vmem>>, %arg8: memref<120x128xf32, #tpu.memory_space<vmem>>, %arg9: memref<1x2xf32, #tpu.memory_space<smem>>, %arg10: memref<8x128xf32, #tpu.memory_space<vmem>>, %arg11: memref<8x128xf32, #tpu.memory_space<vmem>>, %arg12: memref<8x128xf32, #tpu.memory_space<vmem>>, %arg13: memref<8x128xf32, #tpu.memory_space<vmem>>) attributes {dimension_semantics = [], scalar_prefetch = 0 : i64, scratch_operands = 0 : i64, tpu.core_type = #tpu.core_type<tc>} {
    %get3A = arith.constant 0 : index
    %get3A_0 = arith.constant 0 : index
    %get3A_1 = memref.load %arg9[%get3A, %get3A_0] : memref<1x2xf32, #tpu.memory_space<smem>>
    %get3A_2 = arith.constant 0 : index
    %get3A_3 = arith.constant 1 : index
    %get3A_4 = memref.load %arg9[%get3A_2, %get3A_3] : memref<1x2xf32, #tpu.memory_space<smem>>
    %get3A_5 = arith.constant 0 : index
    %get3A_6 = arith.constant 0 : index
    %get3A_7 = vector.load %arg0[%get3A_5, %get3A_6] : memref<120x128xf32, #tpu.memory_space<vmem>>, vector<120x128xf32>
    %get3A_8 = arith.constant 0 : index
    %get3A_9 = arith.constant 0 : index
    %get3A_10 = vector.load %arg5[%get3A_8, %get3A_9] : memref<120x128xf32, #tpu.memory_space<vmem>>, vector<120x128xf32>
    %get3A_11 = arith.constant 0 : index
    %get3A_12 = arith.constant 0 : index
    %get3A_13 = vector.load %arg6[%get3A_11, %get3A_12] : memref<120x128xf32, #tpu.memory_space<vmem>>, vector<120x128xf32>
    %get3A_14 = arith.constant 0 : index
    %get3A_15 = arith.constant 0 : index
    %get3A_16 = vector.load %arg7[%get3A_14, %get3A_15] : memref<120x128xf32, #tpu.memory_space<vmem>>, vector<120x128xf32>
    %get3A_17 = arith.constant 0 : index
    %get3A_18 = arith.constant 0 : index
    %get3A_19 = vector.load %arg8[%get3A_17, %get3A_18] : memref<120x128xf32, #tpu.memory_space<vmem>>, vector<120x128xf32>
    %get3A_20 = arith.constant 0 : index
    %get3A_21 = arith.constant 0 : index
    %get3A_22 = vector.load %arg3[%get3A_20, %get3A_21] : memref<120x128xf32, #tpu.memory_space<vmem>>, vector<120x128xf32>
    %min3A = arith.constant 4.13516665 : f32
    %min3A_23 = vector.broadcast %min3A : f32 to vector<120x128xf32>
    %min3A_24 = arith.minimumf %get3A_22, %min3A_23 : vector<120x128xf32>
    %get3A_25 = arith.constant 0 : index
    %get3A_26 = arith.constant 0 : index
    %get3A_27 = vector.load %arg4[%get3A_25, %get3A_26] : memref<120x128xf32, #tpu.memory_space<vmem>>, vector<120x128xf32>
    %min3A_28 = arith.constant 4.13516665 : f32
    %min3A_29 = vector.broadcast %min3A_28 : f32 to vector<120x128xf32>
    %min3A_30 = arith.minimumf %get3A_27, %min3A_29 : vector<120x128xf32>
    %get3A_31 = arith.constant 0 : index
    %get3A_32 = arith.constant 0 : index
    %get3A_33 = vector.load %arg1[%get3A_31, %get3A_32] : memref<120x128xf32, #tpu.memory_space<vmem>>, vector<120x128xf32>
    %mul3A = arith.mulf %get3A_33, %get3A_10 : vector<120x128xf32>
    %add3A = arith.addf %mul3A, %get3A_16 : vector<120x128xf32>
    %get3A_34 = arith.constant 0 : index
    %get3A_35 = arith.constant 0 : index
    %get3A_36 = vector.load %arg2[%get3A_34, %get3A_35] : memref<120x128xf32, #tpu.memory_space<vmem>>, vector<120x128xf32>
    %mul3A_37 = arith.mulf %get3A_36, %get3A_13 : vector<120x128xf32>
    %add3A_38 = arith.addf %mul3A_37, %get3A_19 : vector<120x128xf32>
    %exp3A = math.exp %min3A_24 : vector<120x128xf32>
    %mul3A_39 = arith.mulf %exp3A, %get3A_10 : vector<120x128xf32>
    %exp3A_40 = math.exp %min3A_30 : vector<120x128xf32>
    %mul3A_41 = arith.mulf %exp3A_40, %get3A_13 : vector<120x128xf32>
    %mul3A_42 = arith.constant 5.000000e-01 : f32
    %mul3A_43 = vector.broadcast %mul3A_42 : f32 to vector<120x128xf32>
    %mul3A_44 = arith.mulf %mul3A_43, %mul3A_39 : vector<120x128xf32>
    %sub3A = arith.subf %add3A, %mul3A_44 : vector<120x128xf32>
    %max3A = arith.constant 0.000000e+00 : f32
    %max3A_45 = vector.broadcast %max3A : f32 to vector<120x128xf32>
    %max3A_46 = arith.maximumf %sub3A, %max3A_45 : vector<120x128xf32>
    %min3A_47 = vector.broadcast %get3A_4 : f32 to vector<120x128xf32>
    %min3A_48 = arith.minimumf %max3A_46, %min3A_47 : vector<120x128xf32>
    %mul3A_49 = arith.constant 5.000000e-01 : f32
    %mul3A_50 = vector.broadcast %mul3A_49 : f32 to vector<120x128xf32>
    %mul3A_51 = arith.mulf %mul3A_50, %mul3A_41 : vector<120x128xf32>
    %sub3A_52 = arith.subf %add3A_38, %mul3A_51 : vector<120x128xf32>
    %max3A_53 = arith.constant 0.000000e+00 : f32
    %max3A_54 = vector.broadcast %max3A_53 : f32 to vector<120x128xf32>
    %max3A_55 = arith.maximumf %sub3A_52, %max3A_54 : vector<120x128xf32>
    %min3A_56 = vector.broadcast %get3A_1 : f32 to vector<120x128xf32>
    %min3A_57 = arith.minimumf %max3A_55, %min3A_56 : vector<120x128xf32>
    %mul3A_58 = arith.constant 5.000000e-01 : f32
    %mul3A_59 = vector.broadcast %mul3A_58 : f32 to vector<120x128xf32>
    %mul3A_60 = arith.mulf %mul3A_59, %mul3A_39 : vector<120x128xf32>
    %add3A_61 = arith.addf %add3A, %mul3A_60 : vector<120x128xf32>
    %max3A_62 = arith.constant 0.000000e+00 : f32
    %max3A_63 = vector.broadcast %max3A_62 : f32 to vector<120x128xf32>
    %max3A_64 = arith.maximumf %add3A_61, %max3A_63 : vector<120x128xf32>
    %min3A_65 = vector.broadcast %get3A_4 : f32 to vector<120x128xf32>
    %min3A_66 = arith.minimumf %max3A_64, %min3A_65 : vector<120x128xf32>
    %mul3A_67 = arith.constant 5.000000e-01 : f32
    %mul3A_68 = vector.broadcast %mul3A_67 : f32 to vector<120x128xf32>
    %mul3A_69 = arith.mulf %mul3A_68, %mul3A_41 : vector<120x128xf32>
    %add3A_70 = arith.addf %add3A_38, %mul3A_69 : vector<120x128xf32>
    %max3A_71 = arith.constant 0.000000e+00 : f32
    %max3A_72 = vector.broadcast %max3A_71 : f32 to vector<120x128xf32>
    %max3A_73 = arith.maximumf %add3A_70, %max3A_72 : vector<120x128xf32>
    %min3A_74 = vector.broadcast %get3A_1 : f32 to vector<120x128xf32>
    %min3A_75 = arith.minimumf %max3A_73, %min3A_74 : vector<120x128xf32>
    %sub3A_76 = arith.subf %min3A_66, %min3A_48 : vector<120x128xf32>
    %sub3A_77 = arith.subf %min3A_75, %min3A_57 : vector<120x128xf32>
    %mul3A_78 = arith.mulf %sub3A_76, %sub3A_77 : vector<120x128xf32>
    %bitcast_convert_type3A = tpu.bitcast %get3A_7 : vector<120x128xf32> -> vector<120x128xi32>
    %ge3A = arith.constant 0 : i32
    %ge3A_79 = vector.broadcast %ge3A : i32 to vector<120x128xi32>
    %ge3A_80 = arith.cmpi sge, %bitcast_convert_type3A, %ge3A_79 : vector<120x128xi32>
    %sub3A_81 = arith.constant -2147483648 : i32
    %sub3A_82 = vector.broadcast %sub3A_81 : i32 to vector<120x128xi32>
    %sub3A_83 = arith.subi %sub3A_82, %bitcast_convert_type3A : vector<120x128xi32>
    %select_n3A = arith.select %ge3A_80, %bitcast_convert_type3A, %sub3A_83 : vector<120x128xi1>, vector<120x128xi32>
    %scan3A = arith.constant -2147483648 : i32
    %scan3A_84 = arith.constant 2147483647 : i32
    %scan3A_85 = arith.constant 0 : i32
    %scan3A_86 = arith.constant 36 : i32
    %scan3A_87 = arith.addi %scan3A_85, %scan3A_86 : i32
    %scan3A_88 = arith.constant 1 : i32
    %scan3A_89:2 = scf.for %scan3A_124 = %scan3A_85 to %scan3A_87 step %scan3A_88 iter_args(%scan3A_125 = %scan3A, %scan3A_126 = %scan3A_84) -> (i32, i32)  : i32 {
      %shift_right_arithmetic3A = arith.constant 1 : i32
      %shift_right_arithmetic3A_127 = arith.shrsi %scan3A_125, %shift_right_arithmetic3A : i32
      %shift_right_arithmetic3A_128 = arith.constant 1 : i32
      %shift_right_arithmetic3A_129 = arith.shrsi %scan3A_126, %shift_right_arithmetic3A_128 : i32
      %add3A_130 = arith.addi %shift_right_arithmetic3A_127, %shift_right_arithmetic3A_129 : i32
      %and3A = arith.andi %scan3A_125, %scan3A_126 : i32
      %and3A_131 = arith.constant 1 : i32
      %and3A_132 = arith.andi %and3A, %and3A_131 : i32
      %add3A_133 = arith.addi %add3A_130, %and3A_132 : i32
      %ge3A_134 = vector.broadcast %add3A_133 : i32 to vector<120x128xi32>
      %ge3A_135 = arith.cmpi sge, %select_n3A, %ge3A_134 : vector<120x128xi32>
      %convert_element_type3A = arith.extui %ge3A_135 : vector<120x128xi1> to vector<120x128xi32>
      %reduce_sum3A = vector.shape_cast %convert_element_type3A : vector<120x128xi32> to vector<1x120x128xi32>
      %reduce_sum3A_136 = arith.constant dense<0> : vector<1xi32>
      %reduce_sum3A_137 = vector.multi_reduction <add>, %reduce_sum3A, %reduce_sum3A_136 [1, 2] : vector<1x120x128xi32> to vector<1xi32>
      %reduce_sum3A_138 = vector.shape_cast %reduce_sum3A_137 : vector<1xi32> to vector<1x1x1xi32>
      %reduce_sum3A_139 = vector.extract %reduce_sum3A_138[0, 0, 0] : i32 from vector<1x1x1xi32>
      %ge3A_140 = arith.constant 6000 : i32
      %ge3A_141 = arith.cmpi sge, %reduce_sum3A_139, %ge3A_140 : i32
      %select_n3A_142 = arith.select %ge3A_141, %add3A_133, %scan3A_125 : i32
      %select_n3A_143 = arith.select %ge3A_141, %scan3A_126, %add3A_133 : i32
      scf.yield %select_n3A_142, %select_n3A_143 : i32, i32
    }
    %ge3A_90 = vector.broadcast %scan3A_89#0 : i32 to vector<120x128xi32>
    %ge3A_91 = arith.cmpi sge, %select_n3A, %ge3A_90 : vector<120x128xi32>
    %iota3A = tpu.iota {dimensions = array<i32: 0>} : vector<120x128xi32>
    %mul3A_92 = arith.constant 128 : i32
    %mul3A_93 = vector.broadcast %mul3A_92 : i32 to vector<120x128xi32>
    %mul3A_94 = arith.muli %iota3A, %mul3A_93 : vector<120x128xi32>
    %iota3A_95 = tpu.iota {dimensions = array<i32: 1>} : vector<120x128xi32>
    %add3A_96 = arith.addi %mul3A_94, %iota3A_95 : vector<120x128xi32>
    %iota3A_97 = tpu.iota {dimensions = array<i32: 0>} : vector<8x128xi32>
    %mul3A_98 = arith.constant 128 : i32
    %mul3A_99 = vector.broadcast %mul3A_98 : i32 to vector<8x128xi32>
    %mul3A_100 = arith.muli %iota3A_97, %mul3A_99 : vector<8x128xi32>
    %iota3A_101 = tpu.iota {dimensions = array<i32: 1>} : vector<8x128xi32>
    %add3A_102 = arith.addi %mul3A_100, %iota3A_101 : vector<8x128xi32>
    %broadcast_in_dim3A = arith.constant 0.000000e+00 : f32
    %broadcast_in_dim3A_103 = vector.broadcast %broadcast_in_dim3A : f32 to vector<8x128xf32>
    %jit3A = arith.constant -1.000000e+30 : f32
    %broadcast_in_dim3A_104 = vector.broadcast %jit3A : f32 to vector<120x128xf32>
    %select_n3A_105 = arith.select %ge3A_91, %get3A_7, %broadcast_in_dim3A_104 : vector<120x128xi1>, vector<120x128xf32>
    %scan3A_106 = arith.constant 0 : i32
    %scan3A_107 = arith.constant 0 : i32
    %scan3A_108 = arith.constant 1000 : i32
    %scan3A_109 = arith.addi %scan3A_107, %scan3A_108 : i32
    %scan3A_110 = arith.constant 1 : i32
    %scan3A_111:6 = scf.for %scan3A_124 = %scan3A_107 to %scan3A_109 step %scan3A_110 iter_args(%scan3A_125 = %select_n3A_105, %scan3A_126 = %scan3A_106, %scan3A_127 = %broadcast_in_dim3A_103, %scan3A_128 = %broadcast_in_dim3A_103, %scan3A_129 = %broadcast_in_dim3A_103, %scan3A_130 = %broadcast_in_dim3A_103) -> (vector<120x128xf32>, i32, vector<8x128xf32>, vector<8x128xf32>, vector<8x128xf32>, vector<8x128xf32>)  : i32 {
      %reduce_max3A = vector.shape_cast %scan3A_125 : vector<120x128xf32> to vector<1x120x128xf32>
      %reduce_max3A_131 = arith.constant dense<0xFF800000> : vector<1xf32>
      %reduce_max3A_132 = vector.multi_reduction <maximumf>, %reduce_max3A, %reduce_max3A_131 [1, 2] : vector<1x120x128xf32> to vector<1xf32>
      %reduce_max3A_133 = vector.shape_cast %reduce_max3A_132 : vector<1xf32> to vector<1x1x1xf32>
      %reduce_max3A_134 = vector.extract %reduce_max3A_133[0, 0, 0] : f32 from vector<1x1x1xf32>
      %eq3A = vector.broadcast %reduce_max3A_134 : f32 to vector<120x128xf32>
      %eq3A_135 = arith.cmpf oeq, %scan3A_125, %eq3A : vector<120x128xf32>
      %jit3A_136 = arith.constant 2147483647 : i32
      %broadcast_in_dim3A_137 = vector.broadcast %jit3A_136 : i32 to vector<120x128xi32>
      %select_n3A_138 = arith.select %eq3A_135, %add3A_96, %broadcast_in_dim3A_137 : vector<120x128xi1>, vector<120x128xi32>
      %reduce_min3A = vector.shape_cast %select_n3A_138 : vector<120x128xi32> to vector<1x120x128xi32>
      %reduce_min3A_139 = arith.constant dense<2147483647> : vector<1xi32>
      %reduce_min3A_140 = vector.multi_reduction <minsi>, %reduce_min3A, %reduce_min3A_139 [1, 2] : vector<1x120x128xi32> to vector<1xi32>
      %reduce_min3A_141 = vector.shape_cast %reduce_min3A_140 : vector<1xi32> to vector<1x1x1xi32>
      %reduce_min3A_142 = vector.extract %reduce_min3A_141[0, 0, 0] : i32 from vector<1x1x1xi32>
      %gt3A = arith.constant -1.000000e+29 : f32
      %gt3A_143 = arith.cmpf ogt, %reduce_max3A_134, %gt3A : f32
      %select_n3A_144 = arith.select %gt3A_143, %reduce_min3A_142, %scan3A_126 : i32
      %eq3A_145 = arith.constant 0 : i32
      %eq3A_146 = arith.cmpi eq, %scan3A_124, %eq3A_145 : i32
      %select_n3A_147 = arith.select %eq3A_146, %select_n3A_144, %scan3A_126 : i32
      %eq3A_148 = vector.broadcast %select_n3A_144 : i32 to vector<120x128xi32>
      %eq3A_149 = arith.cmpi eq, %add3A_96, %eq3A_148 : vector<120x128xi32>
      %jit3A_150 = arith.constant 0.000000e+00 : f32
      %broadcast_in_dim3A_151 = vector.broadcast %jit3A_150 : f32 to vector<120x128xf32>
      %select_n3A_152 = arith.select %eq3A_149, %min3A_48, %broadcast_in_dim3A_151 : vector<120x128xi1>, vector<120x128xf32>
      %reduce_sum3A = vector.shape_cast %select_n3A_152 : vector<120x128xf32> to vector<1x120x128xf32>
      %reduce_sum3A_153 = arith.constant dense<0.000000e+00> : vector<1xf32>
      %reduce_sum3A_154 = vector.multi_reduction <add>, %reduce_sum3A, %reduce_sum3A_153 [1, 2] : vector<1x120x128xf32> to vector<1xf32>
      %reduce_sum3A_155 = vector.shape_cast %reduce_sum3A_154 : vector<1xf32> to vector<1x1x1xf32>
      %reduce_sum3A_156 = vector.extract %reduce_sum3A_155[0, 0, 0] : f32 from vector<1x1x1xf32>
      %jit3A_157 = arith.constant 0.000000e+00 : f32
      %broadcast_in_dim3A_158 = vector.broadcast %jit3A_157 : f32 to vector<120x128xf32>
      %select_n3A_159 = arith.select %eq3A_149, %min3A_57, %broadcast_in_dim3A_158 : vector<120x128xi1>, vector<120x128xf32>
      %reduce_sum3A_160 = vector.shape_cast %select_n3A_159 : vector<120x128xf32> to vector<1x120x128xf32>
      %reduce_sum3A_161 = arith.constant dense<0.000000e+00> : vector<1xf32>
      %reduce_sum3A_162 = vector.multi_reduction <add>, %reduce_sum3A_160, %reduce_sum3A_161 [1, 2] : vector<1x120x128xf32> to vector<1xf32>
      %reduce_sum3A_163 = vector.shape_cast %reduce_sum3A_162 : vector<1xf32> to vector<1x1x1xf32>
      %reduce_sum3A_164 = vector.extract %reduce_sum3A_163[0, 0, 0] : f32 from vector<1x1x1xf32>
      %jit3A_165 = arith.constant 0.000000e+00 : f32
      %broadcast_in_dim3A_166 = vector.broadcast %jit3A_165 : f32 to vector<120x128xf32>
      %select_n3A_167 = arith.select %eq3A_149, %min3A_66, %broadcast_in_dim3A_166 : vector<120x128xi1>, vector<120x128xf32>
      %reduce_sum3A_168 = vector.shape_cast %select_n3A_167 : vector<120x128xf32> to vector<1x120x128xf32>
      %reduce_sum3A_169 = arith.constant dense<0.000000e+00> : vector<1xf32>
      %reduce_sum3A_170 = vector.multi_reduction <add>, %reduce_sum3A_168, %reduce_sum3A_169 [1, 2] : vector<1x120x128xf32> to vector<1xf32>
      %reduce_sum3A_171 = vector.shape_cast %reduce_sum3A_170 : vector<1xf32> to vector<1x1x1xf32>
      %reduce_sum3A_172 = vector.extract %reduce_sum3A_171[0, 0, 0] : f32 from vector<1x1x1xf32>
      %jit3A_173 = arith.constant 0.000000e+00 : f32
      %broadcast_in_dim3A_174 = vector.broadcast %jit3A_173 : f32 to vector<120x128xf32>
      %select_n3A_175 = arith.select %eq3A_149, %min3A_75, %broadcast_in_dim3A_174 : vector<120x128xi1>, vector<120x128xf32>
      %reduce_sum3A_176 = vector.shape_cast %select_n3A_175 : vector<120x128xf32> to vector<1x120x128xf32>
      %reduce_sum3A_177 = arith.constant dense<0.000000e+00> : vector<1xf32>
      %reduce_sum3A_178 = vector.multi_reduction <add>, %reduce_sum3A_176, %reduce_sum3A_177 [1, 2] : vector<1x120x128xf32> to vector<1xf32>
      %reduce_sum3A_179 = vector.shape_cast %reduce_sum3A_178 : vector<1xf32> to vector<1x1x1xf32>
      %reduce_sum3A_180 = vector.extract %reduce_sum3A_179[0, 0, 0] : f32 from vector<1x1x1xf32>
      %jit3A_181 = arith.constant 0.000000e+00 : f32
      %broadcast_in_dim3A_182 = vector.broadcast %jit3A_181 : f32 to vector<120x128xf32>
      %select_n3A_183 = arith.select %eq3A_149, %mul3A_78, %broadcast_in_dim3A_182 : vector<120x128xi1>, vector<120x128xf32>
      %reduce_sum3A_184 = vector.shape_cast %select_n3A_183 : vector<120x128xf32> to vector<1x120x128xf32>
      %reduce_sum3A_185 = arith.constant dense<0.000000e+00> : vector<1xf32>
      %reduce_sum3A_186 = vector.multi_reduction <add>, %reduce_sum3A_184, %reduce_sum3A_185 [1, 2] : vector<1x120x128xf32> to vector<1xf32>
      %reduce_sum3A_187 = vector.shape_cast %reduce_sum3A_186 : vector<1xf32> to vector<1x1x1xf32>
      %reduce_sum3A_188 = vector.extract %reduce_sum3A_187[0, 0, 0] : f32 from vector<1x1x1xf32>
      %max3A_189 = vector.broadcast %reduce_sum3A_156 : f32 to vector<120x128xf32>
      %max3A_190 = arith.maximumf %max3A_189, %min3A_48 : vector<120x128xf32>
      %max3A_191 = vector.broadcast %reduce_sum3A_164 : f32 to vector<120x128xf32>
      %max3A_192 = arith.maximumf %max3A_191, %min3A_57 : vector<120x128xf32>
      %min3A_193 = vector.broadcast %reduce_sum3A_172 : f32 to vector<120x128xf32>
      %min3A_194 = arith.minimumf %min3A_193, %min3A_66 : vector<120x128xf32>
      %min3A_195 = vector.broadcast %reduce_sum3A_180 : f32 to vector<120x128xf32>
      %min3A_196 = arith.minimumf %min3A_195, %min3A_75 : vector<120x128xf32>
      %sub3A_197 = arith.subf %min3A_194, %max3A_190 : vector<120x128xf32>
      %max3A_198 = arith.constant 0.000000e+00 : f32
      %max3A_199 = vector.broadcast %max3A_198 : f32 to vector<120x128xf32>
      %max3A_200 = arith.maximumf %sub3A_197, %max3A_199 : vector<120x128xf32>
      %sub3A_201 = arith.subf %min3A_196, %max3A_192 : vector<120x128xf32>
      %max3A_202 = arith.constant 0.000000e+00 : f32
      %max3A_203 = vector.broadcast %max3A_202 : f32 to vector<120x128xf32>
      %max3A_204 = arith.maximumf %sub3A_201, %max3A_203 : vector<120x128xf32>
      %mul3A_205 = arith.mulf %max3A_200, %max3A_204 : vector<120x128xf32>
      %add3A_206 = vector.broadcast %reduce_sum3A_188 : f32 to vector<120x128xf32>
      %add3A_207 = arith.addf %add3A_206, %mul3A_78 : vector<120x128xf32>
      %sub3A_208 = arith.subf %add3A_207, %mul3A_205 : vector<120x128xf32>
      %add3A_209 = arith.constant 9.99999971E-10 : f32
      %add3A_210 = vector.broadcast %add3A_209 : f32 to vector<120x128xf32>
      %add3A_211 = arith.addf %sub3A_208, %add3A_210 : vector<120x128xf32>
      %div3A = arith.divf %mul3A_205, %add3A_211 : vector<120x128xf32>
      %ge3A_212 = arith.constant 0.699999988 : f32
      %ge3A_213 = vector.broadcast %ge3A_212 : f32 to vector<120x128xf32>
      %ge3A_214 = arith.cmpf oge, %div3A, %ge3A_213 : vector<120x128xf32>
      %jit3A_215 = arith.constant -1.000000e+30 : f32
      %broadcast_in_dim3A_216 = vector.broadcast %jit3A_215 : f32 to vector<120x128xf32>
      %select_n3A_217 = arith.select %ge3A_214, %broadcast_in_dim3A_216, %scan3A_125 : vector<120x128xi1>, vector<120x128xf32>
      %jit3A_218 = arith.constant -1.000000e+30 : f32
      %broadcast_in_dim3A_219 = vector.broadcast %jit3A_218 : f32 to vector<120x128xf32>
      %select_n3A_220 = arith.select %eq3A_149, %broadcast_in_dim3A_219, %select_n3A_217 : vector<120x128xi1>, vector<120x128xf32>
      %eq3A_221 = vector.broadcast %scan3A_124 : i32 to vector<8x128xi32>
      %eq3A_222 = arith.cmpi eq, %add3A_102, %eq3A_221 : vector<8x128xi32>
      %broadcast_in_dim3A_223 = vector.broadcast %reduce_sum3A_156 : f32 to vector<8x128xf32>
      %select_n3A_224 = arith.select %eq3A_222, %broadcast_in_dim3A_223, %scan3A_127 : vector<8x128xi1>, vector<8x128xf32>
      %broadcast_in_dim3A_225 = vector.broadcast %reduce_sum3A_164 : f32 to vector<8x128xf32>
      %select_n3A_226 = arith.select %eq3A_222, %broadcast_in_dim3A_225, %scan3A_128 : vector<8x128xi1>, vector<8x128xf32>
      %broadcast_in_dim3A_227 = vector.broadcast %reduce_sum3A_172 : f32 to vector<8x128xf32>
      %select_n3A_228 = arith.select %eq3A_222, %broadcast_in_dim3A_227, %scan3A_129 : vector<8x128xi1>, vector<8x128xf32>
      %broadcast_in_dim3A_229 = vector.broadcast %reduce_sum3A_180 : f32 to vector<8x128xf32>
      %select_n3A_230 = arith.select %eq3A_222, %broadcast_in_dim3A_229, %scan3A_130 : vector<8x128xi1>, vector<8x128xf32>
      scf.yield %select_n3A_220, %select_n3A_147, %select_n3A_224, %select_n3A_226, %select_n3A_228, %select_n3A_230 : vector<120x128xf32>, i32, vector<8x128xf32>, vector<8x128xf32>, vector<8x128xf32>, vector<8x128xf32>
    }
    %scan3A_112 = arith.constant 1000 : i32
    %swap3A = arith.constant 0 : index
    %swap3A_113 = arith.constant 0 : index
    %swap3A_114 = vector.load %arg10[%swap3A, %swap3A_113] : memref<8x128xf32, #tpu.memory_space<vmem>>, vector<8x128xf32>
    tpu.vector_store %arg10[%swap3A, %swap3A_113], %scan3A_111#2 {strides = array<i32>} : memref<8x128xf32, #tpu.memory_space<vmem>>, vector<8x128xf32>,
    %swap3A_115 = arith.constant 0 : index
    %swap3A_116 = arith.constant 0 : index
    %swap3A_117 = vector.load %arg11[%swap3A_115, %swap3A_116] : memref<8x128xf32, #tpu.memory_space<vmem>>, vector<8x128xf32>
    tpu.vector_store %arg11[%swap3A_115, %swap3A_116], %scan3A_111#3 {strides = array<i32>} : memref<8x128xf32, #tpu.memory_space<vmem>>, vector<8x128xf32>,
    %swap3A_118 = arith.constant 0 : index
    %swap3A_119 = arith.constant 0 : index
    %swap3A_120 = vector.load %arg12[%swap3A_118, %swap3A_119] : memref<8x128xf32, #tpu.memory_space<vmem>>, vector<8x128xf32>
    tpu.vector_store %arg12[%swap3A_118, %swap3A_119], %scan3A_111#4 {strides = array<i32>} : memref<8x128xf32, #tpu.memory_space<vmem>>, vector<8x128xf32>,
    %swap3A_121 = arith.constant 0 : index
    %swap3A_122 = arith.constant 0 : index
    %swap3A_123 = vector.load %arg13[%swap3A_121, %swap3A_122] : memref<8x128xf32, #tpu.memory_space<vmem>>, vector<8x128xf32>
    tpu.vector_store %arg13[%swap3A_121, %swap3A_122], %scan3A_111#5 {strides = array<i32>} : memref<8x128xf32, #tpu.memory_space<vmem>>, vector<8x128xf32>,
    return
  }
}

module attributes {stable_mosaic.version = 14 : i64} {
  func.func @_k4_body(%arg0: i32, %arg1: memref<128x1xf32, #tpu.memory_space<vmem>>, %arg2: memref<128x1xf32, #tpu.memory_space<vmem>>, %arg3: memref<128x1xf32, #tpu.memory_space<vmem>>, %arg4: memref<128x1xf32, #tpu.memory_space<vmem>>, %arg5: memref<1024x1024xf32, #tpu.memory_space<vmem>>, %arg6: memref<128x1024xf32, #tpu.memory_space<vmem>>) attributes {dimension_semantics = [#tpu.dimension_semantics<arbitrary>], iteration_bounds = array<i64: 8>, scalar_prefetch = 0 : i64, scratch_operands = 0 : i64, tpu.core_type = #tpu.core_type<tc>, window_params = [{transform_indices = @transform_0, window_bounds = array<i64: 128, 1>}, {transform_indices = @transform_1, window_bounds = array<i64: 128, 1>}, {transform_indices = @transform_2, window_bounds = array<i64: 128, 1>}, {transform_indices = @transform_3, window_bounds = array<i64: 128, 1>}, {pipeline_mode = #tpu.pipeline_mode<synchronous>, transform_indices = @transform_4, window_bounds = array<i64: 1024, 1024>}, {transform_indices = @transform_5, window_bounds = array<i64: 128, 1024>}]} {
    %get3A = arith.constant 0 : index
    %get3A_0 = arith.constant 0 : index
    %get3A_1 = vector.load %arg1[%get3A, %get3A_0] : memref<128x1xf32, #tpu.memory_space<vmem>>, vector<128x1xf32>
    %get3A_2 = arith.constant 0 : index
    %get3A_3 = arith.constant 0 : index
    %get3A_4 = vector.load %arg2[%get3A_2, %get3A_3] : memref<128x1xf32, #tpu.memory_space<vmem>>, vector<128x1xf32>
    %get3A_5 = arith.constant 0 : index
    %get3A_6 = arith.constant 0 : index
    %get3A_7 = vector.load %arg3[%get3A_5, %get3A_6] : memref<128x1xf32, #tpu.memory_space<vmem>>, vector<128x1xf32>
    %get3A_8 = arith.constant 0 : index
    %get3A_9 = arith.constant 0 : index
    %get3A_10 = vector.load %arg4[%get3A_8, %get3A_9] : memref<128x1xf32, #tpu.memory_space<vmem>>, vector<128x1xf32>
    %iota3A = tpu.iota {dimensions = array<i32: 1>} : vector<1x1024xi32>
    %jit3A = arith.constant 32 : i32
    %div3A = vector.broadcast %jit3A : i32 to vector<1x1024xi32>
    %div3A_11 = arith.divsi %iota3A, %div3A : vector<1x1024xi32>
    %sign3A = arith.constant 0 : i32
    %sign3A_12 = vector.broadcast %sign3A : i32 to vector<1x1024xi32>
    %sign3A_13 = arith.cmpi sgt, %iota3A, %sign3A_12 : vector<1x1024xi32>
    %sign3A_14 = arith.extui %sign3A_13 : vector<1x1024xi1> to vector<1x1024xi32>
    %sign3A_15 = arith.constant 0 : i32
    %sign3A_16 = vector.broadcast %sign3A_15 : i32 to vector<1x1024xi32>
    %sign3A_17 = arith.cmpi slt, %iota3A, %sign3A_16 : vector<1x1024xi32>
    %sign3A_18 = arith.extui %sign3A_17 : vector<1x1024xi1> to vector<1x1024xi32>
    %sign3A_19 = arith.subi %sign3A_14, %sign3A_18 : vector<1x1024xi32>
    %sign3A_20 = arith.constant 0 : i32
    %sign3A_21 = arith.cmpi sgt, %jit3A, %sign3A_20 : i32
    %sign3A_22 = arith.extui %sign3A_21 : i1 to i32
    %sign3A_23 = arith.constant 0 : i32
    %sign3A_24 = arith.cmpi slt, %jit3A, %sign3A_23 : i32
    %sign3A_25 = arith.extui %sign3A_24 : i1 to i32
    %sign3A_26 = arith.subi %sign3A_22, %sign3A_25 : i32
    %ne3A = vector.broadcast %sign3A_26 : i32 to vector<1x1024xi32>
    %ne3A_27 = arith.cmpi ne, %sign3A_19, %ne3A : vector<1x1024xi32>
    %rem3A = vector.broadcast %jit3A : i32 to vector<1x1024xi32>
    %rem3A_28 = arith.remsi %iota3A, %rem3A : vector<1x1024xi32>
    %ne3A_29 = arith.constant 0 : i32
    %ne3A_30 = vector.broadcast %ne3A_29 : i32 to vector<1x1024xi32>
    %ne3A_31 = arith.cmpi ne, %rem3A_28, %ne3A_30 : vector<1x1024xi32>
    %and3A = arith.andi %ne3A_27, %ne3A_31 : vector<1x1024xi1>
    %sub3A = arith.constant 1 : i32
    %sub3A_32 = vector.broadcast %sub3A : i32 to vector<1x1024xi32>
    %sub3A_33 = arith.subi %div3A_11, %sub3A_32 : vector<1x1024xi32>
    %select_n3A = arith.select %and3A, %sub3A_33, %div3A_11 : vector<1x1024xi1>, vector<1x1024xi32>
    %convert_element_type3A = arith.sitofp %select_n3A : vector<1x1024xi32> to vector<1x1024xf32>
    %jit3A_34 = arith.constant 32 : i32
    %eq3A = arith.constant 0 : i32
    %eq3A_35 = arith.cmpi eq, %jit3A_34, %eq3A : i32
    %jit3A_36 = arith.constant 1 : i32
    %select_n3A_37 = arith.select %eq3A_35, %jit3A_36, %jit3A_34 : i32
    %rem3A_38 = vector.broadcast %select_n3A_37 : i32 to vector<1x1024xi32>
    %rem3A_39 = arith.remsi %iota3A, %rem3A_38 : vector<1x1024xi32>
    %ne3A_40 = arith.constant 0 : i32
    %ne3A_41 = vector.broadcast %ne3A_40 : i32 to vector<1x1024xi32>
    %ne3A_42 = arith.cmpi ne, %rem3A_39, %ne3A_41 : vector<1x1024xi32>
    %lt3A = arith.constant 0 : i32
    %lt3A_43 = vector.broadcast %lt3A : i32 to vector<1x1024xi32>
    %lt3A_44 = arith.cmpi slt, %rem3A_39, %lt3A_43 : vector<1x1024xi32>
    %lt3A_45 = arith.constant 0 : i32
    %lt3A_46 = arith.cmpi slt, %select_n3A_37, %lt3A_45 : i32
    %ne3A_47 = vector.broadcast %lt3A_46 : i1 to vector<1x1024xi1>
    %ne3A_48 = vector.broadcast %ne3A_47 : vector<1x1024xi1> to vector<1x1024xi1>
    %ne3A_49 = arith.xori %lt3A_44, %ne3A_48 : vector<1x1024xi1>
    %and3A_50 = arith.andi %ne3A_49, %ne3A_42 : vector<1x1024xi1>
    %add3A = vector.broadcast %select_n3A_37 : i32 to vector<1x1024xi32>
    %add3A_51 = arith.addi %rem3A_39, %add3A : vector<1x1024xi32>
    %select_n3A_52 = arith.select %and3A_50, %add3A_51, %rem3A_39 : vector<1x1024xi1>, vector<1x1024xi32>
    %convert_element_type3A_53 = arith.sitofp %select_n3A_52 : vector<1x1024xi32> to vector<1x1024xf32>
    %sub3A_54 = arith.subf %get3A_7, %get3A_1 : vector<128x1xf32>
    %mul3A = arith.constant 1.250000e-01 : f32
    %mul3A_55 = vector.broadcast %mul3A : f32 to vector<128x1xf32>
    %mul3A_56 = arith.mulf %mul3A_55, %sub3A_54 : vector<128x1xf32>
    %add3A_57 = arith.addf %get3A_1, %mul3A_56 : vector<128x1xf32>
    %mul3A_58 = arith.constant 6.250000e-02 : f32
    %mul3A_59 = vector.broadcast %mul3A_58 : f32 to vector<128x1xf32>
    %mul3A_60 = arith.mulf %add3A_57, %mul3A_59 : vector<128x1xf32>
    %sub3A_61 = arith.constant 5.000000e-01 : f32
    %sub3A_62 = vector.broadcast %sub3A_61 : f32 to vector<128x1xf32>
    %sub3A_63 = arith.subf %mul3A_60, %sub3A_62 : vector<128x1xf32>
    %max3A = arith.constant 0.000000e+00 : f32
    %max3A_64 = vector.broadcast %max3A : f32 to vector<128x1xf32>
    %max3A_65 = arith.maximumf %sub3A_63, %max3A_64 : vector<128x1xf32>
    %min3A = arith.constant 3.100000e+01 : f32
    %min3A_66 = vector.broadcast %min3A : f32 to vector<128x1xf32>
    %min3A_67 = arith.minimumf %max3A_65, %min3A_66 : vector<128x1xf32>
    %floor3A = math.floor %min3A_67 : vector<128x1xf32>
    %sub3A_68 = arith.subf %min3A_67, %floor3A : vector<128x1xf32>
    %add3A_69 = arith.constant 1.000000e+00 : f32
    %add3A_70 = vector.broadcast %add3A_69 : f32 to vector<128x1xf32>
    %add3A_71 = arith.addf %floor3A, %add3A_70 : vector<128x1xf32>
    %min3A_72 = arith.constant 3.100000e+01 : f32
    %min3A_73 = vector.broadcast %min3A_72 : f32 to vector<128x1xf32>
    %min3A_74 = arith.minimumf %add3A_71, %min3A_73 : vector<128x1xf32>
    %eq3A_75 = vector.broadcast %convert_element_type3A_53 : vector<1x1024xf32> to vector<128x1024xf32>
    %eq3A_76 = vector.broadcast %floor3A : vector<128x1xf32> to vector<128x1024xf32>
    %eq3A_77 = arith.cmpf oeq, %eq3A_75, %eq3A_76 : vector<128x1024xf32>
    %sub3A_78 = arith.constant 1.000000e+00 : f32
    %sub3A_79 = vector.broadcast %sub3A_78 : f32 to vector<128x1xf32>
    %sub3A_80 = arith.subf %sub3A_79, %sub3A_68 : vector<128x1xf32>
    %convert_element_type3A_81 = arith.extui %eq3A_77 : vector<128x1024xi1> to vector<128x1024xi32>
    %convert_element_type3A_82 = arith.sitofp %convert_element_type3A_81 : vector<128x1024xi32> to vector<128x1024xf32>
    %mul3A_83 = vector.broadcast %sub3A_80 : vector<128x1xf32> to vector<128x1024xf32>
    %mul3A_84 = arith.mulf %convert_element_type3A_82, %mul3A_83 : vector<128x1024xf32>
    %eq3A_85 = vector.broadcast %convert_element_type3A_53 : vector<1x1024xf32> to vector<128x1024xf32>
    %eq3A_86 = vector.broadcast %min3A_74 : vector<128x1xf32> to vector<128x1024xf32>
    %eq3A_87 = arith.cmpf oeq, %eq3A_85, %eq3A_86 : vector<128x1024xf32>
    %convert_element_type3A_88 = arith.extui %eq3A_87 : vector<128x1024xi1> to vector<128x1024xi32>
    %convert_element_type3A_89 = arith.sitofp %convert_element_type3A_88 : vector<128x1024xi32> to vector<128x1024xf32>
    %mul3A_90 = vector.broadcast %sub3A_68 : vector<128x1xf32> to vector<128x1024xf32>
    %mul3A_91 = arith.mulf %convert_element_type3A_89, %mul3A_90 : vector<128x1024xf32>
    %add3A_92 = arith.addf %mul3A_84, %mul3A_91 : vector<128x1024xf32>
    %sub3A_93 = arith.subf %get3A_7, %get3A_1 : vector<128x1xf32>
    %mul3A_94 = arith.constant 3.750000e-01 : f32
    %mul3A_95 = vector.broadcast %mul3A_94 : f32 to vector<128x1xf32>
    %mul3A_96 = arith.mulf %mul3A_95, %sub3A_93 : vector<128x1xf32>
    %add3A_97 = arith.addf %get3A_1, %mul3A_96 : vector<128x1xf32>
    %mul3A_98 = arith.constant 6.250000e-02 : f32
    %mul3A_99 = vector.broadcast %mul3A_98 : f32 to vector<128x1xf32>
    %mul3A_100 = arith.mulf %add3A_97, %mul3A_99 : vector<128x1xf32>
    %sub3A_101 = arith.constant 5.000000e-01 : f32
    %sub3A_102 = vector.broadcast %sub3A_101 : f32 to vector<128x1xf32>
    %sub3A_103 = arith.subf %mul3A_100, %sub3A_102 : vector<128x1xf32>
    %max3A_104 = arith.constant 0.000000e+00 : f32
    %max3A_105 = vector.broadcast %max3A_104 : f32 to vector<128x1xf32>
    %max3A_106 = arith.maximumf %sub3A_103, %max3A_105 : vector<128x1xf32>
    %min3A_107 = arith.constant 3.100000e+01 : f32
    %min3A_108 = vector.broadcast %min3A_107 : f32 to vector<128x1xf32>
    %min3A_109 = arith.minimumf %max3A_106, %min3A_108 : vector<128x1xf32>
    %floor3A_110 = math.floor %min3A_109 : vector<128x1xf32>
    %sub3A_111 = arith.subf %min3A_109, %floor3A_110 : vector<128x1xf32>
    %add3A_112 = arith.constant 1.000000e+00 : f32
    %add3A_113 = vector.broadcast %add3A_112 : f32 to vector<128x1xf32>
    %add3A_114 = arith.addf %floor3A_110, %add3A_113 : vector<128x1xf32>
    %min3A_115 = arith.constant 3.100000e+01 : f32
    %min3A_116 = vector.broadcast %min3A_115 : f32 to vector<128x1xf32>
    %min3A_117 = arith.minimumf %add3A_114, %min3A_116 : vector<128x1xf32>
    %eq3A_118 = vector.broadcast %convert_element_type3A_53 : vector<1x1024xf32> to vector<128x1024xf32>
    %eq3A_119 = vector.broadcast %floor3A_110 : vector<128x1xf32> to vector<128x1024xf32>
    %eq3A_120 = arith.cmpf oeq, %eq3A_118, %eq3A_119 : vector<128x1024xf32>
    %sub3A_121 = arith.constant 1.000000e+00 : f32
    %sub3A_122 = vector.broadcast %sub3A_121 : f32 to vector<128x1xf32>
    %sub3A_123 = arith.subf %sub3A_122, %sub3A_111 : vector<128x1xf32>
    %convert_element_type3A_124 = arith.extui %eq3A_120 : vector<128x1024xi1> to vector<128x1024xi32>
    %convert_element_type3A_125 = arith.sitofp %convert_element_type3A_124 : vector<128x1024xi32> to vector<128x1024xf32>
    %mul3A_126 = vector.broadcast %sub3A_123 : vector<128x1xf32> to vector<128x1024xf32>
    %mul3A_127 = arith.mulf %convert_element_type3A_125, %mul3A_126 : vector<128x1024xf32>
    %eq3A_128 = vector.broadcast %convert_element_type3A_53 : vector<1x1024xf32> to vector<128x1024xf32>
    %eq3A_129 = vector.broadcast %min3A_117 : vector<128x1xf32> to vector<128x1024xf32>
    %eq3A_130 = arith.cmpf oeq, %eq3A_128, %eq3A_129 : vector<128x1024xf32>
    %convert_element_type3A_131 = arith.extui %eq3A_130 : vector<128x1024xi1> to vector<128x1024xi32>
    %convert_element_type3A_132 = arith.sitofp %convert_element_type3A_131 : vector<128x1024xi32> to vector<128x1024xf32>
    %mul3A_133 = vector.broadcast %sub3A_111 : vector<128x1xf32> to vector<128x1024xf32>
    %mul3A_134 = arith.mulf %convert_element_type3A_132, %mul3A_133 : vector<128x1024xf32>
    %add3A_135 = arith.addf %mul3A_127, %mul3A_134 : vector<128x1024xf32>
    %sub3A_136 = arith.subf %get3A_7, %get3A_1 : vector<128x1xf32>
    %mul3A_137 = arith.constant 6.250000e-01 : f32
    %mul3A_138 = vector.broadcast %mul3A_137 : f32 to vector<128x1xf32>
    %mul3A_139 = arith.mulf %mul3A_138, %sub3A_136 : vector<128x1xf32>
    %add3A_140 = arith.addf %get3A_1, %mul3A_139 : vector<128x1xf32>
    %mul3A_141 = arith.constant 6.250000e-02 : f32
    %mul3A_142 = vector.broadcast %mul3A_141 : f32 to vector<128x1xf32>
    %mul3A_143 = arith.mulf %add3A_140, %mul3A_142 : vector<128x1xf32>
    %sub3A_144 = arith.constant 5.000000e-01 : f32
    %sub3A_145 = vector.broadcast %sub3A_144 : f32 to vector<128x1xf32>
    %sub3A_146 = arith.subf %mul3A_143, %sub3A_145 : vector<128x1xf32>
    %max3A_147 = arith.constant 0.000000e+00 : f32
    %max3A_148 = vector.broadcast %max3A_147 : f32 to vector<128x1xf32>
    %max3A_149 = arith.maximumf %sub3A_146, %max3A_148 : vector<128x1xf32>
    %min3A_150 = arith.constant 3.100000e+01 : f32
    %min3A_151 = vector.broadcast %min3A_150 : f32 to vector<128x1xf32>
    %min3A_152 = arith.minimumf %max3A_149, %min3A_151 : vector<128x1xf32>
    %floor3A_153 = math.floor %min3A_152 : vector<128x1xf32>
    %sub3A_154 = arith.subf %min3A_152, %floor3A_153 : vector<128x1xf32>
    %add3A_155 = arith.constant 1.000000e+00 : f32
    %add3A_156 = vector.broadcast %add3A_155 : f32 to vector<128x1xf32>
    %add3A_157 = arith.addf %floor3A_153, %add3A_156 : vector<128x1xf32>
    %min3A_158 = arith.constant 3.100000e+01 : f32
    %min3A_159 = vector.broadcast %min3A_158 : f32 to vector<128x1xf32>
    %min3A_160 = arith.minimumf %add3A_157, %min3A_159 : vector<128x1xf32>
    %eq3A_161 = vector.broadcast %convert_element_type3A_53 : vector<1x1024xf32> to vector<128x1024xf32>
    %eq3A_162 = vector.broadcast %floor3A_153 : vector<128x1xf32> to vector<128x1024xf32>
    %eq3A_163 = arith.cmpf oeq, %eq3A_161, %eq3A_162 : vector<128x1024xf32>
    %sub3A_164 = arith.constant 1.000000e+00 : f32
    %sub3A_165 = vector.broadcast %sub3A_164 : f32 to vector<128x1xf32>
    %sub3A_166 = arith.subf %sub3A_165, %sub3A_154 : vector<128x1xf32>
    %convert_element_type3A_167 = arith.extui %eq3A_163 : vector<128x1024xi1> to vector<128x1024xi32>
    %convert_element_type3A_168 = arith.sitofp %convert_element_type3A_167 : vector<128x1024xi32> to vector<128x1024xf32>
    %mul3A_169 = vector.broadcast %sub3A_166 : vector<128x1xf32> to vector<128x1024xf32>
    %mul3A_170 = arith.mulf %convert_element_type3A_168, %mul3A_169 : vector<128x1024xf32>
    %eq3A_171 = vector.broadcast %convert_element_type3A_53 : vector<1x1024xf32> to vector<128x1024xf32>
    %eq3A_172 = vector.broadcast %min3A_160 : vector<128x1xf32> to vector<128x1024xf32>
    %eq3A_173 = arith.cmpf oeq, %eq3A_171, %eq3A_172 : vector<128x1024xf32>
    %convert_element_type3A_174 = arith.extui %eq3A_173 : vector<128x1024xi1> to vector<128x1024xi32>
    %convert_element_type3A_175 = arith.sitofp %convert_element_type3A_174 : vector<128x1024xi32> to vector<128x1024xf32>
    %mul3A_176 = vector.broadcast %sub3A_154 : vector<128x1xf32> to vector<128x1024xf32>
    %mul3A_177 = arith.mulf %convert_element_type3A_175, %mul3A_176 : vector<128x1024xf32>
    %add3A_178 = arith.addf %mul3A_170, %mul3A_177 : vector<128x1024xf32>
    %sub3A_179 = arith.subf %get3A_7, %get3A_1 : vector<128x1xf32>
    %mul3A_180 = arith.constant 8.750000e-01 : f32
    %mul3A_181 = vector.broadcast %mul3A_180 : f32 to vector<128x1xf32>
    %mul3A_182 = arith.mulf %mul3A_181, %sub3A_179 : vector<128x1xf32>
    %add3A_183 = arith.addf %get3A_1, %mul3A_182 : vector<128x1xf32>
    %mul3A_184 = arith.constant 6.250000e-02 : f32
    %mul3A_185 = vector.broadcast %mul3A_184 : f32 to vector<128x1xf32>
    %mul3A_186 = arith.mulf %add3A_183, %mul3A_185 : vector<128x1xf32>
    %sub3A_187 = arith.constant 5.000000e-01 : f32
    %sub3A_188 = vector.broadcast %sub3A_187 : f32 to vector<128x1xf32>
    %sub3A_189 = arith.subf %mul3A_186, %sub3A_188 : vector<128x1xf32>
    %max3A_190 = arith.constant 0.000000e+00 : f32
    %max3A_191 = vector.broadcast %max3A_190 : f32 to vector<128x1xf32>
    %max3A_192 = arith.maximumf %sub3A_189, %max3A_191 : vector<128x1xf32>
    %min3A_193 = arith.constant 3.100000e+01 : f32
    %min3A_194 = vector.broadcast %min3A_193 : f32 to vector<128x1xf32>
    %min3A_195 = arith.minimumf %max3A_192, %min3A_194 : vector<128x1xf32>
    %floor3A_196 = math.floor %min3A_195 : vector<128x1xf32>
    %sub3A_197 = arith.subf %min3A_195, %floor3A_196 : vector<128x1xf32>
    %add3A_198 = arith.constant 1.000000e+00 : f32
    %add3A_199 = vector.broadcast %add3A_198 : f32 to vector<128x1xf32>
    %add3A_200 = arith.addf %floor3A_196, %add3A_199 : vector<128x1xf32>
    %min3A_201 = arith.constant 3.100000e+01 : f32
    %min3A_202 = vector.broadcast %min3A_201 : f32 to vector<128x1xf32>
    %min3A_203 = arith.minimumf %add3A_200, %min3A_202 : vector<128x1xf32>
    %eq3A_204 = vector.broadcast %convert_element_type3A_53 : vector<1x1024xf32> to vector<128x1024xf32>
    %eq3A_205 = vector.broadcast %floor3A_196 : vector<128x1xf32> to vector<128x1024xf32>
    %eq3A_206 = arith.cmpf oeq, %eq3A_204, %eq3A_205 : vector<128x1024xf32>
    %sub3A_207 = arith.constant 1.000000e+00 : f32
    %sub3A_208 = vector.broadcast %sub3A_207 : f32 to vector<128x1xf32>
    %sub3A_209 = arith.subf %sub3A_208, %sub3A_197 : vector<128x1xf32>
    %convert_element_type3A_210 = arith.extui %eq3A_206 : vector<128x1024xi1> to vector<128x1024xi32>
    %convert_element_type3A_211 = arith.sitofp %convert_element_type3A_210 : vector<128x1024xi32> to vector<128x1024xf32>
    %mul3A_212 = vector.broadcast %sub3A_209 : vector<128x1xf32> to vector<128x1024xf32>
    %mul3A_213 = arith.mulf %convert_element_type3A_211, %mul3A_212 : vector<128x1024xf32>
    %eq3A_214 = vector.broadcast %convert_element_type3A_53 : vector<1x1024xf32> to vector<128x1024xf32>
    %eq3A_215 = vector.broadcast %min3A_203 : vector<128x1xf32> to vector<128x1024xf32>
    %eq3A_216 = arith.cmpf oeq, %eq3A_214, %eq3A_215 : vector<128x1024xf32>
    %convert_element_type3A_217 = arith.extui %eq3A_216 : vector<128x1024xi1> to vector<128x1024xi32>
    %convert_element_type3A_218 = arith.sitofp %convert_element_type3A_217 : vector<128x1024xi32> to vector<128x1024xf32>
    %mul3A_219 = vector.broadcast %sub3A_197 : vector<128x1xf32> to vector<128x1024xf32>
    %mul3A_220 = arith.mulf %convert_element_type3A_218, %mul3A_219 : vector<128x1024xf32>
    %add3A_221 = arith.addf %mul3A_213, %mul3A_220 : vector<128x1024xf32>
    %sub3A_222 = arith.subf %get3A_10, %get3A_4 : vector<128x1xf32>
    %mul3A_223 = arith.constant 1.250000e-01 : f32
    %mul3A_224 = vector.broadcast %mul3A_223 : f32 to vector<128x1xf32>
    %mul3A_225 = arith.mulf %mul3A_224, %sub3A_222 : vector<128x1xf32>
    %add3A_226 = arith.addf %get3A_4, %mul3A_225 : vector<128x1xf32>
    %mul3A_227 = arith.constant 6.250000e-02 : f32
    %mul3A_228 = vector.broadcast %mul3A_227 : f32 to vector<128x1xf32>
    %mul3A_229 = arith.mulf %add3A_226, %mul3A_228 : vector<128x1xf32>
    %sub3A_230 = arith.constant 5.000000e-01 : f32
    %sub3A_231 = vector.broadcast %sub3A_230 : f32 to vector<128x1xf32>
    %sub3A_232 = arith.subf %mul3A_229, %sub3A_231 : vector<128x1xf32>
    %max3A_233 = arith.constant 0.000000e+00 : f32
    %max3A_234 = vector.broadcast %max3A_233 : f32 to vector<128x1xf32>
    %max3A_235 = arith.maximumf %sub3A_232, %max3A_234 : vector<128x1xf32>
    %min3A_236 = arith.constant 3.100000e+01 : f32
    %min3A_237 = vector.broadcast %min3A_236 : f32 to vector<128x1xf32>
    %min3A_238 = arith.minimumf %max3A_235, %min3A_237 : vector<128x1xf32>
    %floor3A_239 = math.floor %min3A_238 : vector<128x1xf32>
    %sub3A_240 = arith.subf %min3A_238, %floor3A_239 : vector<128x1xf32>
    %add3A_241 = arith.constant 1.000000e+00 : f32
    %add3A_242 = vector.broadcast %add3A_241 : f32 to vector<128x1xf32>
    %add3A_243 = arith.addf %floor3A_239, %add3A_242 : vector<128x1xf32>
    %min3A_244 = arith.constant 3.100000e+01 : f32
    %min3A_245 = vector.broadcast %min3A_244 : f32 to vector<128x1xf32>
    %min3A_246 = arith.minimumf %add3A_243, %min3A_245 : vector<128x1xf32>
    %eq3A_247 = vector.broadcast %convert_element_type3A : vector<1x1024xf32> to vector<128x1024xf32>
    %eq3A_248 = vector.broadcast %floor3A_239 : vector<128x1xf32> to vector<128x1024xf32>
    %eq3A_249 = arith.cmpf oeq, %eq3A_247, %eq3A_248 : vector<128x1024xf32>
    %sub3A_250 = arith.constant 1.000000e+00 : f32
    %sub3A_251 = vector.broadcast %sub3A_250 : f32 to vector<128x1xf32>
    %sub3A_252 = arith.subf %sub3A_251, %sub3A_240 : vector<128x1xf32>
    %convert_element_type3A_253 = arith.extui %eq3A_249 : vector<128x1024xi1> to vector<128x1024xi32>
    %convert_element_type3A_254 = arith.sitofp %convert_element_type3A_253 : vector<128x1024xi32> to vector<128x1024xf32>
    %mul3A_255 = vector.broadcast %sub3A_252 : vector<128x1xf32> to vector<128x1024xf32>
    %mul3A_256 = arith.mulf %convert_element_type3A_254, %mul3A_255 : vector<128x1024xf32>
    %eq3A_257 = vector.broadcast %convert_element_type3A : vector<1x1024xf32> to vector<128x1024xf32>
    %eq3A_258 = vector.broadcast %min3A_246 : vector<128x1xf32> to vector<128x1024xf32>
    %eq3A_259 = arith.cmpf oeq, %eq3A_257, %eq3A_258 : vector<128x1024xf32>
    %convert_element_type3A_260 = arith.extui %eq3A_259 : vector<128x1024xi1> to vector<128x1024xi32>
    %convert_element_type3A_261 = arith.sitofp %convert_element_type3A_260 : vector<128x1024xi32> to vector<128x1024xf32>
    %mul3A_262 = vector.broadcast %sub3A_240 : vector<128x1xf32> to vector<128x1024xf32>
    %mul3A_263 = arith.mulf %convert_element_type3A_261, %mul3A_262 : vector<128x1024xf32>
    %add3A_264 = arith.addf %mul3A_256, %mul3A_263 : vector<128x1024xf32>
    %sub3A_265 = arith.subf %get3A_10, %get3A_4 : vector<128x1xf32>
    %mul3A_266 = arith.constant 3.750000e-01 : f32
    %mul3A_267 = vector.broadcast %mul3A_266 : f32 to vector<128x1xf32>
    %mul3A_268 = arith.mulf %mul3A_267, %sub3A_265 : vector<128x1xf32>
    %add3A_269 = arith.addf %get3A_4, %mul3A_268 : vector<128x1xf32>
    %mul3A_270 = arith.constant 6.250000e-02 : f32
    %mul3A_271 = vector.broadcast %mul3A_270 : f32 to vector<128x1xf32>
    %mul3A_272 = arith.mulf %add3A_269, %mul3A_271 : vector<128x1xf32>
    %sub3A_273 = arith.constant 5.000000e-01 : f32
    %sub3A_274 = vector.broadcast %sub3A_273 : f32 to vector<128x1xf32>
    %sub3A_275 = arith.subf %mul3A_272, %sub3A_274 : vector<128x1xf32>
    %max3A_276 = arith.constant 0.000000e+00 : f32
    %max3A_277 = vector.broadcast %max3A_276 : f32 to vector<128x1xf32>
    %max3A_278 = arith.maximumf %sub3A_275, %max3A_277 : vector<128x1xf32>
    %min3A_279 = arith.constant 3.100000e+01 : f32
    %min3A_280 = vector.broadcast %min3A_279 : f32 to vector<128x1xf32>
    %min3A_281 = arith.minimumf %max3A_278, %min3A_280 : vector<128x1xf32>
    %floor3A_282 = math.floor %min3A_281 : vector<128x1xf32>
    %sub3A_283 = arith.subf %min3A_281, %floor3A_282 : vector<128x1xf32>
    %add3A_284 = arith.constant 1.000000e+00 : f32
    %add3A_285 = vector.broadcast %add3A_284 : f32 to vector<128x1xf32>
    %add3A_286 = arith.addf %floor3A_282, %add3A_285 : vector<128x1xf32>
    %min3A_287 = arith.constant 3.100000e+01 : f32
    %min3A_288 = vector.broadcast %min3A_287 : f32 to vector<128x1xf32>
    %min3A_289 = arith.minimumf %add3A_286, %min3A_288 : vector<128x1xf32>
    %eq3A_290 = vector.broadcast %convert_element_type3A : vector<1x1024xf32> to vector<128x1024xf32>
    %eq3A_291 = vector.broadcast %floor3A_282 : vector<128x1xf32> to vector<128x1024xf32>
    %eq3A_292 = arith.cmpf oeq, %eq3A_290, %eq3A_291 : vector<128x1024xf32>
    %sub3A_293 = arith.constant 1.000000e+00 : f32
    %sub3A_294 = vector.broadcast %sub3A_293 : f32 to vector<128x1xf32>
    %sub3A_295 = arith.subf %sub3A_294, %sub3A_283 : vector<128x1xf32>
    %convert_element_type3A_296 = arith.extui %eq3A_292 : vector<128x1024xi1> to vector<128x1024xi32>
    %convert_element_type3A_297 = arith.sitofp %convert_element_type3A_296 : vector<128x1024xi32> to vector<128x1024xf32>
    %mul3A_298 = vector.broadcast %sub3A_295 : vector<128x1xf32> to vector<128x1024xf32>
    %mul3A_299 = arith.mulf %convert_element_type3A_297, %mul3A_298 : vector<128x1024xf32>
    %eq3A_300 = vector.broadcast %convert_element_type3A : vector<1x1024xf32> to vector<128x1024xf32>
    %eq3A_301 = vector.broadcast %min3A_289 : vector<128x1xf32> to vector<128x1024xf32>
    %eq3A_302 = arith.cmpf oeq, %eq3A_300, %eq3A_301 : vector<128x1024xf32>
    %convert_element_type3A_303 = arith.extui %eq3A_302 : vector<128x1024xi1> to vector<128x1024xi32>
    %convert_element_type3A_304 = arith.sitofp %convert_element_type3A_303 : vector<128x1024xi32> to vector<128x1024xf32>
    %mul3A_305 = vector.broadcast %sub3A_283 : vector<128x1xf32> to vector<128x1024xf32>
    %mul3A_306 = arith.mulf %convert_element_type3A_304, %mul3A_305 : vector<128x1024xf32>
    %add3A_307 = arith.addf %mul3A_299, %mul3A_306 : vector<128x1024xf32>
    %sub3A_308 = arith.subf %get3A_10, %get3A_4 : vector<128x1xf32>
    %mul3A_309 = arith.constant 6.250000e-01 : f32
    %mul3A_310 = vector.broadcast %mul3A_309 : f32 to vector<128x1xf32>
    %mul3A_311 = arith.mulf %mul3A_310, %sub3A_308 : vector<128x1xf32>
    %add3A_312 = arith.addf %get3A_4, %mul3A_311 : vector<128x1xf32>
    %mul3A_313 = arith.constant 6.250000e-02 : f32
    %mul3A_314 = vector.broadcast %mul3A_313 : f32 to vector<128x1xf32>
    %mul3A_315 = arith.mulf %add3A_312, %mul3A_314 : vector<128x1xf32>
    %sub3A_316 = arith.constant 5.000000e-01 : f32
    %sub3A_317 = vector.broadcast %sub3A_316 : f32 to vector<128x1xf32>
    %sub3A_318 = arith.subf %mul3A_315, %sub3A_317 : vector<128x1xf32>
    %max3A_319 = arith.constant 0.000000e+00 : f32
    %max3A_320 = vector.broadcast %max3A_319 : f32 to vector<128x1xf32>
    %max3A_321 = arith.maximumf %sub3A_318, %max3A_320 : vector<128x1xf32>
    %min3A_322 = arith.constant 3.100000e+01 : f32
    %min3A_323 = vector.broadcast %min3A_322 : f32 to vector<128x1xf32>
    %min3A_324 = arith.minimumf %max3A_321, %min3A_323 : vector<128x1xf32>
    %floor3A_325 = math.floor %min3A_324 : vector<128x1xf32>
    %sub3A_326 = arith.subf %min3A_324, %floor3A_325 : vector<128x1xf32>
    %add3A_327 = arith.constant 1.000000e+00 : f32
    %add3A_328 = vector.broadcast %add3A_327 : f32 to vector<128x1xf32>
    %add3A_329 = arith.addf %floor3A_325, %add3A_328 : vector<128x1xf32>
    %min3A_330 = arith.constant 3.100000e+01 : f32
    %min3A_331 = vector.broadcast %min3A_330 : f32 to vector<128x1xf32>
    %min3A_332 = arith.minimumf %add3A_329, %min3A_331 : vector<128x1xf32>
    %eq3A_333 = vector.broadcast %convert_element_type3A : vector<1x1024xf32> to vector<128x1024xf32>
    %eq3A_334 = vector.broadcast %floor3A_325 : vector<128x1xf32> to vector<128x1024xf32>
    %eq3A_335 = arith.cmpf oeq, %eq3A_333, %eq3A_334 : vector<128x1024xf32>
    %sub3A_336 = arith.constant 1.000000e+00 : f32
    %sub3A_337 = vector.broadcast %sub3A_336 : f32 to vector<128x1xf32>
    %sub3A_338 = arith.subf %sub3A_337, %sub3A_326 : vector<128x1xf32>
    %convert_element_type3A_339 = arith.extui %eq3A_335 : vector<128x1024xi1> to vector<128x1024xi32>
    %convert_element_type3A_340 = arith.sitofp %convert_element_type3A_339 : vector<128x1024xi32> to vector<128x1024xf32>
    %mul3A_341 = vector.broadcast %sub3A_338 : vector<128x1xf32> to vector<128x1024xf32>
    %mul3A_342 = arith.mulf %convert_element_type3A_340, %mul3A_341 : vector<128x1024xf32>
    %eq3A_343 = vector.broadcast %convert_element_type3A : vector<1x1024xf32> to vector<128x1024xf32>
    %eq3A_344 = vector.broadcast %min3A_332 : vector<128x1xf32> to vector<128x1024xf32>
    %eq3A_345 = arith.cmpf oeq, %eq3A_343, %eq3A_344 : vector<128x1024xf32>
    %convert_element_type3A_346 = arith.extui %eq3A_345 : vector<128x1024xi1> to vector<128x1024xi32>
    %convert_element_type3A_347 = arith.sitofp %convert_element_type3A_346 : vector<128x1024xi32> to vector<128x1024xf32>
    %mul3A_348 = vector.broadcast %sub3A_326 : vector<128x1xf32> to vector<128x1024xf32>
    %mul3A_349 = arith.mulf %convert_element_type3A_347, %mul3A_348 : vector<128x1024xf32>
    %add3A_350 = arith.addf %mul3A_342, %mul3A_349 : vector<128x1024xf32>
    %sub3A_351 = arith.subf %get3A_10, %get3A_4 : vector<128x1xf32>
    %mul3A_352 = arith.constant 8.750000e-01 : f32
    %mul3A_353 = vector.broadcast %mul3A_352 : f32 to vector<128x1xf32>
    %mul3A_354 = arith.mulf %mul3A_353, %sub3A_351 : vector<128x1xf32>
    %add3A_355 = arith.addf %get3A_4, %mul3A_354 : vector<128x1xf32>
    %mul3A_356 = arith.constant 6.250000e-02 : f32
    %mul3A_357 = vector.broadcast %mul3A_356 : f32 to vector<128x1xf32>
    %mul3A_358 = arith.mulf %add3A_355, %mul3A_357 : vector<128x1xf32>
    %sub3A_359 = arith.constant 5.000000e-01 : f32
    %sub3A_360 = vector.broadcast %sub3A_359 : f32 to vector<128x1xf32>
    %sub3A_361 = arith.subf %mul3A_358, %sub3A_360 : vector<128x1xf32>
    %max3A_362 = arith.constant 0.000000e+00 : f32
    %max3A_363 = vector.broadcast %max3A_362 : f32 to vector<128x1xf32>
    %max3A_364 = arith.maximumf %sub3A_361, %max3A_363 : vector<128x1xf32>
    %min3A_365 = arith.constant 3.100000e+01 : f32
    %min3A_366 = vector.broadcast %min3A_365 : f32 to vector<128x1xf32>
    %min3A_367 = arith.minimumf %max3A_364, %min3A_366 : vector<128x1xf32>
    %floor3A_368 = math.floor %min3A_367 : vector<128x1xf32>
    %sub3A_369 = arith.subf %min3A_367, %floor3A_368 : vector<128x1xf32>
    %add3A_370 = arith.constant 1.000000e+00 : f32
    %add3A_371 = vector.broadcast %add3A_370 : f32 to vector<128x1xf32>
    %add3A_372 = arith.addf %floor3A_368, %add3A_371 : vector<128x1xf32>
    %min3A_373 = arith.constant 3.100000e+01 : f32
    %min3A_374 = vector.broadcast %min3A_373 : f32 to vector<128x1xf32>
    %min3A_375 = arith.minimumf %add3A_372, %min3A_374 : vector<128x1xf32>
    %eq3A_376 = vector.broadcast %convert_element_type3A : vector<1x1024xf32> to vector<128x1024xf32>
    %eq3A_377 = vector.broadcast %floor3A_368 : vector<128x1xf32> to vector<128x1024xf32>
    %eq3A_378 = arith.cmpf oeq, %eq3A_376, %eq3A_377 : vector<128x1024xf32>
    %sub3A_379 = arith.constant 1.000000e+00 : f32
    %sub3A_380 = vector.broadcast %sub3A_379 : f32 to vector<128x1xf32>
    %sub3A_381 = arith.subf %sub3A_380, %sub3A_369 : vector<128x1xf32>
    %convert_element_type3A_382 = arith.extui %eq3A_378 : vector<128x1024xi1> to vector<128x1024xi32>
    %convert_element_type3A_383 = arith.sitofp %convert_element_type3A_382 : vector<128x1024xi32> to vector<128x1024xf32>
    %mul3A_384 = vector.broadcast %sub3A_381 : vector<128x1xf32> to vector<128x1024xf32>
    %mul3A_385 = arith.mulf %convert_element_type3A_383, %mul3A_384 : vector<128x1024xf32>
    %eq3A_386 = vector.broadcast %convert_element_type3A : vector<1x1024xf32> to vector<128x1024xf32>
    %eq3A_387 = vector.broadcast %min3A_375 : vector<128x1xf32> to vector<128x1024xf32>
    %eq3A_388 = arith.cmpf oeq, %eq3A_386, %eq3A_387 : vector<128x1024xf32>
    %convert_element_type3A_389 = arith.extui %eq3A_388 : vector<128x1024xi1> to vector<128x1024xi32>
    %convert_element_type3A_390 = arith.sitofp %convert_element_type3A_389 : vector<128x1024xi32> to vector<128x1024xf32>
    %mul3A_391 = vector.broadcast %sub3A_369 : vector<128x1xf32> to vector<128x1024xf32>
    %mul3A_392 = arith.mulf %convert_element_type3A_390, %mul3A_391 : vector<128x1024xf32>
    %add3A_393 = arith.addf %mul3A_385, %mul3A_392 : vector<128x1024xf32>
    %broadcast_in_dim3A = arith.constant 0.000000e+00 : f32
    %broadcast_in_dim3A_394 = vector.broadcast %broadcast_in_dim3A : f32 to vector<128x1024xf32>
    %mul3A_395 = arith.mulf %add3A_264, %add3A_92 : vector<128x1024xf32>
    %add3A_396 = arith.addf %broadcast_in_dim3A_394, %mul3A_395 : vector<128x1024xf32>
    %mul3A_397 = arith.mulf %add3A_264, %add3A_135 : vector<128x1024xf32>
    %add3A_398 = arith.addf %add3A_396, %mul3A_397 : vector<128x1024xf32>
    %mul3A_399 = arith.mulf %add3A_264, %add3A_178 : vector<128x1024xf32>
    %add3A_400 = arith.addf %add3A_398, %mul3A_399 : vector<128x1024xf32>
    %mul3A_401 = arith.mulf %add3A_264, %add3A_221 : vector<128x1024xf32>
    %add3A_402 = arith.addf %add3A_400, %mul3A_401 : vector<128x1024xf32>
    %mul3A_403 = arith.mulf %add3A_307, %add3A_92 : vector<128x1024xf32>
    %add3A_404 = arith.addf %add3A_402, %mul3A_403 : vector<128x1024xf32>
    %mul3A_405 = arith.mulf %add3A_307, %add3A_135 : vector<128x1024xf32>
    %add3A_406 = arith.addf %add3A_404, %mul3A_405 : vector<128x1024xf32>
    %mul3A_407 = arith.mulf %add3A_307, %add3A_178 : vector<128x1024xf32>
    %add3A_408 = arith.addf %add3A_406, %mul3A_407 : vector<128x1024xf32>
    %mul3A_409 = arith.mulf %add3A_307, %add3A_221 : vector<128x1024xf32>
    %add3A_410 = arith.addf %add3A_408, %mul3A_409 : vector<128x1024xf32>
    %mul3A_411 = arith.mulf %add3A_350, %add3A_92 : vector<128x1024xf32>
    %add3A_412 = arith.addf %add3A_410, %mul3A_411 : vector<128x1024xf32>
    %mul3A_413 = arith.mulf %add3A_350, %add3A_135 : vector<128x1024xf32>
    %add3A_414 = arith.addf %add3A_412, %mul3A_413 : vector<128x1024xf32>
    %mul3A_415 = arith.mulf %add3A_350, %add3A_178 : vector<128x1024xf32>
    %add3A_416 = arith.addf %add3A_414, %mul3A_415 : vector<128x1024xf32>
    %mul3A_417 = arith.mulf %add3A_350, %add3A_221 : vector<128x1024xf32>
    %add3A_418 = arith.addf %add3A_416, %mul3A_417 : vector<128x1024xf32>
    %mul3A_419 = arith.mulf %add3A_393, %add3A_92 : vector<128x1024xf32>
    %add3A_420 = arith.addf %add3A_418, %mul3A_419 : vector<128x1024xf32>
    %mul3A_421 = arith.mulf %add3A_393, %add3A_135 : vector<128x1024xf32>
    %add3A_422 = arith.addf %add3A_420, %mul3A_421 : vector<128x1024xf32>
    %mul3A_423 = arith.mulf %add3A_393, %add3A_178 : vector<128x1024xf32>
    %add3A_424 = arith.addf %add3A_422, %mul3A_423 : vector<128x1024xf32>
    %mul3A_425 = arith.mulf %add3A_393, %add3A_221 : vector<128x1024xf32>
    %add3A_426 = arith.addf %add3A_424, %mul3A_425 : vector<128x1024xf32>
    %get3A_427 = arith.constant 0 : index
    %get3A_428 = arith.constant 0 : index
    %get3A_429 = vector.load %arg5[%get3A_427, %get3A_428] : memref<1024x1024xf32, #tpu.memory_space<vmem>>, vector<1024x1024xf32>
    %dot_general3A = arith.constant dense<0.000000e+00> : vector<128x1024xf32>
    %dot_general3A_430 = tpu.matmul %add3A_426, %get3A_429, %dot_general3A {dimension_numbers = #tpu.dot_dimension_numbers<[1], [0], [0], [1], [0, 0, 1, 1], [], []>, precision = #tpu.contract_precision<fp32>, transpose_lhs_hint = false} : vector<128x1024xf32>, vector<1024x1024xf32>, vector<128x1024xf32> -> vector<128x1024xf32>
    %mul3A_431 = arith.constant 6.250000e-02 : f32
    %mul3A_432 = vector.broadcast %mul3A_431 : f32 to vector<128x1024xf32>
    %mul3A_433 = arith.mulf %dot_general3A_430, %mul3A_432 : vector<128x1024xf32>
    %swap3A = arith.constant 0 : index
    %swap3A_434 = arith.constant 0 : index
    %swap3A_435 = vector.load %arg6[%swap3A, %swap3A_434] : memref<128x1024xf32, #tpu.memory_space<vmem>>, vector<128x1024xf32>
    tpu.vector_store %arg6[%swap3A, %swap3A_434], %mul3A_433 {strides = array<i32>} : memref<128x1024xf32, #tpu.memory_space<vmem>>, vector<128x1024xf32>,
    return
  }
  func.func @transform_0(%arg0: i32) -> (i32, i32) {
    %c0_i32 = arith.constant 0 : i32
    %c0_i32_0 = arith.constant 0 : i32
    return %arg0, %c0_i32 : i32, i32
  }
  func.func @transform_1(%arg0: i32) -> (i32, i32) {
    %c0_i32 = arith.constant 0 : i32
    %c0_i32_0 = arith.constant 0 : i32
    return %arg0, %c0_i32 : i32, i32
  }
  func.func @transform_2(%arg0: i32) -> (i32, i32) {
    %c0_i32 = arith.constant 0 : i32
    %c0_i32_0 = arith.constant 0 : i32
    return %arg0, %c0_i32 : i32, i32
  }
  func.func @transform_3(%arg0: i32) -> (i32, i32) {
    %c0_i32 = arith.constant 0 : i32
    %c0_i32_0 = arith.constant 0 : i32
    return %arg0, %c0_i32 : i32, i32
  }
  func.func @transform_4(%arg0: i32) -> (i32, i32) {
    %c0_i32 = arith.constant 0 : i32
    %c0_i32_0 = arith.constant 0 : i32
    %c0_i32_1 = arith.constant 0 : i32
    return %c0_i32, %c0_i32_0 : i32, i32
  }
  func.func @transform_5(%arg0: i32) -> (i32, i32) {
    %c0_i32 = arith.constant 0 : i32
    %c0_i32_0 = arith.constant 0 : i32
    return %arg0, %c0_i32 : i32, i32
  }
}

module attributes {stable_mosaic.version = 14 : i64} {
  func.func @_k5a_body(%arg0: i32, %arg1: memref<128x1024xf32, #tpu.memory_space<vmem>>, %arg2: memref<1024x1792xf32, #tpu.memory_space<vmem>>, %arg3: memref<1x1792xf32, #tpu.memory_space<vmem>>, %arg4: memref<128x1792xf32, #tpu.memory_space<vmem>>, %arg5: memref<128x1xf32, #tpu.memory_space<vmem>>, %arg6: memref<128x128xf32, #tpu.memory_space<vmem>>) attributes {dimension_semantics = [#tpu.dimension_semantics<arbitrary>], iteration_bounds = array<i64: 8>, scalar_prefetch = 0 : i64, scratch_operands = 0 : i64, tpu.core_type = #tpu.core_type<tc>, window_params = [{transform_indices = @transform_0, window_bounds = array<i64: 128, 1024>}, {pipeline_mode = #tpu.pipeline_mode<synchronous>, transform_indices = @transform_1, window_bounds = array<i64: 1024, 1792>}, {pipeline_mode = #tpu.pipeline_mode<synchronous>, transform_indices = @transform_2, window_bounds = array<i64: 1, 1792>}, {transform_indices = @transform_3, window_bounds = array<i64: 128, 1792>}, {transform_indices = @transform_4, window_bounds = array<i64: 128, 1>}, {transform_indices = @transform_5, window_bounds = array<i64: 128, 128>}]} {
    %get3A = arith.constant 0 : index
    %get3A_0 = arith.constant 0 : index
    %get3A_1 = vector.load %arg1[%get3A, %get3A_0] : memref<128x1024xf32, #tpu.memory_space<vmem>>, vector<128x1024xf32>
    %get3A_2 = arith.constant 0 : index
    %get3A_3 = arith.constant 0 : index
    %get3A_4 = vector.load %arg2[%get3A_2, %get3A_3] : memref<1024x1792xf32, #tpu.memory_space<vmem>>, vector<1024x1792xf32>
    %dot_general3A = arith.constant dense<0.000000e+00> : vector<128x1792xf32>
    %dot_general3A_5 = tpu.matmul %get3A_1, %get3A_4, %dot_general3A {dimension_numbers = #tpu.dot_dimension_numbers<[1], [0], [0], [1], [0, 0, 1, 1], [], []>, transpose_lhs_hint = false} : vector<128x1024xf32>, vector<1024x1792xf32>, vector<128x1792xf32> -> vector<128x1792xf32>
    %get3A_6 = arith.constant 0 : index
    %get3A_7 = arith.constant 0 : index
    %get3A_8 = vector.load %arg3[%get3A_6, %get3A_7] : memref<1x1792xf32, #tpu.memory_space<vmem>>, vector<1x1792xf32>
    %add3A = vector.broadcast %get3A_8 : vector<1x1792xf32> to vector<128x1792xf32>
    %add3A_9 = arith.addf %dot_general3A_5, %add3A : vector<128x1792xf32>
    %iota3A = tpu.iota {dimensions = array<i32: 1>} : vector<128x1792xi32>
    %lt3A = arith.constant 1601 : i32
    %lt3A_10 = vector.broadcast %lt3A : i32 to vector<128x1792xi32>
    %lt3A_11 = arith.cmpi slt, %iota3A, %lt3A_10 : vector<128x1792xi32>
    %jit3A = arith.constant -1.000000e+30 : f32
    %broadcast_in_dim3A = vector.broadcast %jit3A : f32 to vector<128x1792xf32>
    %select_n3A = arith.select %lt3A_11, %add3A_9, %broadcast_in_dim3A : vector<128x1792xi1>, vector<128x1792xf32>
    %reduce_max3A = arith.constant dense<0xFF800000> : vector<128xf32>
    %reduce_max3A_12 = vector.multi_reduction <maximumf>, %select_n3A, %reduce_max3A [1] : vector<128x1792xf32> to vector<128xf32>
    %broadcast_in_dim3A_13 = vector.shape_cast %reduce_max3A_12 : vector<128xf32> to vector<128x1xf32>
    %sub3A = vector.broadcast %broadcast_in_dim3A_13 : vector<128x1xf32> to vector<128x1792xf32>
    %sub3A_14 = arith.subf %select_n3A, %sub3A : vector<128x1792xf32>
    %exp3A = math.exp %sub3A_14 : vector<128x1792xf32>
    %reduce_sum3A = arith.constant dense<0.000000e+00> : vector<128xf32>
    %reduce_sum3A_15 = vector.multi_reduction <add>, %exp3A, %reduce_sum3A [1] : vector<128x1792xf32> to vector<128xf32>
    %broadcast_in_dim3A_16 = vector.shape_cast %reduce_sum3A_15 : vector<128xf32> to vector<128x1xf32>
    %div3A = vector.broadcast %broadcast_in_dim3A_16 : vector<128x1xf32> to vector<128x1792xf32>
    %div3A_17 = arith.divf %exp3A, %div3A : vector<128x1792xf32>
    %swap3A = arith.constant 0 : index
    %swap3A_18 = arith.constant 0 : index
    %swap3A_19 = vector.load %arg4[%swap3A, %swap3A_18] : memref<128x1792xf32, #tpu.memory_space<vmem>>, vector<128x1792xf32>
    tpu.vector_store %arg4[%swap3A, %swap3A_18], %div3A_17 {strides = array<i32>} : memref<128x1792xf32, #tpu.memory_space<vmem>>, vector<128x1792xf32>,
    %lt3A_20 = arith.constant 1600 : i32
    %lt3A_21 = vector.broadcast %lt3A_20 : i32 to vector<128x1792xi32>
    %lt3A_22 = arith.cmpi slt, %iota3A, %lt3A_21 : vector<128x1792xi32>
    %jit3A_23 = arith.constant -1.000000e+00 : f32
    %broadcast_in_dim3A_24 = vector.broadcast %jit3A_23 : f32 to vector<128x1792xf32>
    %select_n3A_25 = arith.select %lt3A_22, %div3A_17, %broadcast_in_dim3A_24 : vector<128x1792xi1>, vector<128x1792xf32>
    %reduce_max3A_26 = arith.constant dense<0xFF800000> : vector<128xf32>
    %reduce_max3A_27 = vector.multi_reduction <maximumf>, %select_n3A_25, %reduce_max3A_26 [1] : vector<128x1792xf32> to vector<128xf32>
    %broadcast_in_dim3A_28 = vector.shape_cast %reduce_max3A_27 : vector<128xf32> to vector<128x1xf32>
    %swap3A_29 = arith.constant 0 : index
    %swap3A_30 = arith.constant 0 : index
    %swap3A_31 = vector.load %arg5[%swap3A_29, %swap3A_30] : memref<128x1xf32, #tpu.memory_space<vmem>>, vector<128x1xf32>
    tpu.vector_store %arg5[%swap3A_29, %swap3A_30], %broadcast_in_dim3A_28 {strides = array<i32>} : memref<128x1xf32, #tpu.memory_space<vmem>>, vector<128x1xf32>,
    %slice3A = vector.extract_strided_slice %add3A_9 {offsets = [0, 1664], sizes = [128, 128], strides = [1, 1]} : vector<128x1792xf32> to vector<128x128xf32>
    %swap3A_32 = arith.constant 0 : index
    %swap3A_33 = arith.constant 0 : index
    %swap3A_34 = vector.load %arg6[%swap3A_32, %swap3A_33] : memref<128x128xf32, #tpu.memory_space<vmem>>, vector<128x128xf32>
    tpu.vector_store %arg6[%swap3A_32, %swap3A_33], %slice3A {strides = array<i32>} : memref<128x128xf32, #tpu.memory_space<vmem>>, vector<128x128xf32>,
    return
  }
  func.func @transform_0(%arg0: i32) -> (i32, i32) {
    %c0_i32 = arith.constant 0 : i32
    %c0_i32_0 = arith.constant 0 : i32
    return %arg0, %c0_i32 : i32, i32
  }
  func.func @transform_1(%arg0: i32) -> (i32, i32) {
    %c0_i32 = arith.constant 0 : i32
    %c0_i32_0 = arith.constant 0 : i32
    %c0_i32_1 = arith.constant 0 : i32
    return %c0_i32, %c0_i32_0 : i32, i32
  }
  func.func @transform_2(%arg0: i32) -> (i32, i32) {
    %c0_i32 = arith.constant 0 : i32
    %c0_i32_0 = arith.constant 0 : i32
    %c0_i32_1 = arith.constant 0 : i32
    return %c0_i32, %c0_i32_0 : i32, i32
  }
  func.func @transform_3(%arg0: i32) -> (i32, i32) {
    %c0_i32 = arith.constant 0 : i32
    %c0_i32_0 = arith.constant 0 : i32
    return %arg0, %c0_i32 : i32, i32
  }
  func.func @transform_4(%arg0: i32) -> (i32, i32) {
    %c0_i32 = arith.constant 0 : i32
    %c0_i32_0 = arith.constant 0 : i32
    return %arg0, %c0_i32 : i32, i32
  }
  func.func @transform_5(%arg0: i32) -> (i32, i32) {
    %c0_i32 = arith.constant 0 : i32
    %c0_i32_0 = arith.constant 0 : i32
    return %arg0, %c0_i32 : i32, i32
  }
}

module attributes {stable_mosaic.version = 14 : i64} {
  func.func @_k5b_body(%arg0: memref<8x128xf32, #tpu.memory_space<vmem>>, %arg1: memref<8x128xf32, #tpu.memory_space<vmem>>, %arg2: memref<8x128xf32, #tpu.memory_space<vmem>>, %arg3: memref<8x128xf32, #tpu.memory_space<vmem>>, %arg4: memref<8x128xf32, #tpu.memory_space<vmem>>, %arg5: memref<8x128xf32, #tpu.memory_space<vmem>>, %arg6: memref<8x128xf32, #tpu.memory_space<vmem>>, %arg7: memref<8x128xf32, #tpu.memory_space<vmem>>, %arg8: memref<8x128xf32, #tpu.memory_space<vmem>>, %arg9: memref<1x2xf32, #tpu.memory_space<smem>>, %arg10: memref<8x128xi32, #tpu.memory_space<vmem>>, %arg11: memref<8x128xf32, #tpu.memory_space<vmem>>, %arg12: memref<8x128xf32, #tpu.memory_space<vmem>>, %arg13: memref<8x128xf32, #tpu.memory_space<vmem>>, %arg14: memref<8x128xf32, #tpu.memory_space<vmem>>) attributes {dimension_semantics = [], scalar_prefetch = 0 : i64, scratch_operands = 0 : i64, tpu.core_type = #tpu.core_type<tc>} {
    %get3A = arith.constant 0 : index
    %get3A_0 = arith.constant 0 : index
    %get3A_1 = memref.load %arg9[%get3A, %get3A_0] : memref<1x2xf32, #tpu.memory_space<smem>>
    %get3A_2 = arith.constant 0 : index
    %get3A_3 = arith.constant 1 : index
    %get3A_4 = memref.load %arg9[%get3A_2, %get3A_3] : memref<1x2xf32, #tpu.memory_space<smem>>
    %get3A_5 = arith.constant 0 : index
    %get3A_6 = arith.constant 0 : index
    %get3A_7 = vector.load %arg7[%get3A_5, %get3A_6] : memref<8x128xf32, #tpu.memory_space<vmem>>, vector<8x128xf32>
    %get3A_8 = arith.constant 0 : index
    %get3A_9 = arith.constant 0 : index
    %get3A_10 = vector.load %arg5[%get3A_8, %get3A_9] : memref<8x128xf32, #tpu.memory_space<vmem>>, vector<8x128xf32>
    %sub3A = arith.subf %get3A_7, %get3A_10 : vector<8x128xf32>
    %get3A_11 = arith.constant 0 : index
    %get3A_12 = arith.constant 0 : index
    %get3A_13 = vector.load %arg8[%get3A_11, %get3A_12] : memref<8x128xf32, #tpu.memory_space<vmem>>, vector<8x128xf32>
    %get3A_14 = arith.constant 0 : index
    %get3A_15 = arith.constant 0 : index
    %get3A_16 = vector.load %arg6[%get3A_14, %get3A_15] : memref<8x128xf32, #tpu.memory_space<vmem>>, vector<8x128xf32>
    %sub3A_17 = arith.subf %get3A_13, %get3A_16 : vector<8x128xf32>
    %get3A_18 = arith.constant 0 : index
    %get3A_19 = arith.constant 0 : index
    %get3A_20 = vector.load %arg5[%get3A_18, %get3A_19] : memref<8x128xf32, #tpu.memory_space<vmem>>, vector<8x128xf32>
    %mul3A = arith.constant 5.000000e-01 : f32
    %mul3A_21 = vector.broadcast %mul3A : f32 to vector<8x128xf32>
    %mul3A_22 = arith.mulf %mul3A_21, %sub3A : vector<8x128xf32>
    %add3A = arith.addf %get3A_20, %mul3A_22 : vector<8x128xf32>
    %get3A_23 = arith.constant 0 : index
    %get3A_24 = arith.constant 0 : index
    %get3A_25 = vector.load %arg6[%get3A_23, %get3A_24] : memref<8x128xf32, #tpu.memory_space<vmem>>, vector<8x128xf32>
    %mul3A_26 = arith.constant 5.000000e-01 : f32
    %mul3A_27 = vector.broadcast %mul3A_26 : f32 to vector<8x128xf32>
    %mul3A_28 = arith.mulf %mul3A_27, %sub3A_17 : vector<8x128xf32>
    %add3A_29 = arith.addf %get3A_25, %mul3A_28 : vector<8x128xf32>
    %get3A_30 = arith.constant 0 : index
    %get3A_31 = arith.constant 0 : index
    %get3A_32 = vector.load %arg3[%get3A_30, %get3A_31] : memref<8x128xf32, #tpu.memory_space<vmem>>, vector<8x128xf32>
    %min3A = arith.constant 4.13516665 : f32
    %min3A_33 = vector.broadcast %min3A : f32 to vector<8x128xf32>
    %min3A_34 = arith.minimumf %get3A_32, %min3A_33 : vector<8x128xf32>
    %get3A_35 = arith.constant 0 : index
    %get3A_36 = arith.constant 0 : index
    %get3A_37 = vector.load %arg4[%get3A_35, %get3A_36] : memref<8x128xf32, #tpu.memory_space<vmem>>, vector<8x128xf32>
    %min3A_38 = arith.constant 4.13516665 : f32
    %min3A_39 = vector.broadcast %min3A_38 : f32 to vector<8x128xf32>
    %min3A_40 = arith.minimumf %get3A_37, %min3A_39 : vector<8x128xf32>
    %get3A_41 = arith.constant 0 : index
    %get3A_42 = arith.constant 0 : index
    %get3A_43 = vector.load %arg1[%get3A_41, %get3A_42] : memref<8x128xf32, #tpu.memory_space<vmem>>, vector<8x128xf32>
    %mul3A_44 = arith.mulf %get3A_43, %sub3A : vector<8x128xf32>
    %add3A_45 = arith.addf %mul3A_44, %add3A : vector<8x128xf32>
    %get3A_46 = arith.constant 0 : index
    %get3A_47 = arith.constant 0 : index
    %get3A_48 = vector.load %arg2[%get3A_46, %get3A_47] : memref<8x128xf32, #tpu.memory_space<vmem>>, vector<8x128xf32>
    %mul3A_49 = arith.mulf %get3A_48, %sub3A_17 : vector<8x128xf32>
    %add3A_50 = arith.addf %mul3A_49, %add3A_29 : vector<8x128xf32>
    %exp3A = math.exp %min3A_34 : vector<8x128xf32>
    %mul3A_51 = arith.mulf %exp3A, %sub3A : vector<8x128xf32>
    %exp3A_52 = math.exp %min3A_40 : vector<8x128xf32>
    %mul3A_53 = arith.mulf %exp3A_52, %sub3A_17 : vector<8x128xf32>
    %mul3A_54 = arith.constant 5.000000e-01 : f32
    %mul3A_55 = vector.broadcast %mul3A_54 : f32 to vector<8x128xf32>
    %mul3A_56 = arith.mulf %mul3A_55, %mul3A_51 : vector<8x128xf32>
    %sub3A_57 = arith.subf %add3A_45, %mul3A_56 : vector<8x128xf32>
    %max3A = arith.constant 0.000000e+00 : f32
    %max3A_58 = vector.broadcast %max3A : f32 to vector<8x128xf32>
    %max3A_59 = arith.maximumf %sub3A_57, %max3A_58 : vector<8x128xf32>
    %min3A_60 = vector.broadcast %get3A_4 : f32 to vector<8x128xf32>
    %min3A_61 = arith.minimumf %max3A_59, %min3A_60 : vector<8x128xf32>
    %mul3A_62 = arith.constant 5.000000e-01 : f32
    %mul3A_63 = vector.broadcast %mul3A_62 : f32 to vector<8x128xf32>
    %mul3A_64 = arith.mulf %mul3A_63, %mul3A_53 : vector<8x128xf32>
    %sub3A_65 = arith.subf %add3A_50, %mul3A_64 : vector<8x128xf32>
    %max3A_66 = arith.constant 0.000000e+00 : f32
    %max3A_67 = vector.broadcast %max3A_66 : f32 to vector<8x128xf32>
    %max3A_68 = arith.maximumf %sub3A_65, %max3A_67 : vector<8x128xf32>
    %min3A_69 = vector.broadcast %get3A_1 : f32 to vector<8x128xf32>
    %min3A_70 = arith.minimumf %max3A_68, %min3A_69 : vector<8x128xf32>
    %mul3A_71 = arith.constant 5.000000e-01 : f32
    %mul3A_72 = vector.broadcast %mul3A_71 : f32 to vector<8x128xf32>
    %mul3A_73 = arith.mulf %mul3A_72, %mul3A_51 : vector<8x128xf32>
    %add3A_74 = arith.addf %add3A_45, %mul3A_73 : vector<8x128xf32>
    %max3A_75 = arith.constant 0.000000e+00 : f32
    %max3A_76 = vector.broadcast %max3A_75 : f32 to vector<8x128xf32>
    %max3A_77 = arith.maximumf %add3A_74, %max3A_76 : vector<8x128xf32>
    %min3A_78 = vector.broadcast %get3A_4 : f32 to vector<8x128xf32>
    %min3A_79 = arith.minimumf %max3A_77, %min3A_78 : vector<8x128xf32>
    %mul3A_80 = arith.constant 5.000000e-01 : f32
    %mul3A_81 = vector.broadcast %mul3A_80 : f32 to vector<8x128xf32>
    %mul3A_82 = arith.mulf %mul3A_81, %mul3A_53 : vector<8x128xf32>
    %add3A_83 = arith.addf %add3A_50, %mul3A_82 : vector<8x128xf32>
    %max3A_84 = arith.constant 0.000000e+00 : f32
    %max3A_85 = vector.broadcast %max3A_84 : f32 to vector<8x128xf32>
    %max3A_86 = arith.maximumf %add3A_83, %max3A_85 : vector<8x128xf32>
    %min3A_87 = vector.broadcast %get3A_1 : f32 to vector<8x128xf32>
    %min3A_88 = arith.minimumf %max3A_86, %min3A_87 : vector<8x128xf32>
    %sub3A_89 = arith.subf %min3A_79, %min3A_61 : vector<8x128xf32>
    %sub3A_90 = arith.subf %min3A_88, %min3A_70 : vector<8x128xf32>
    %mul3A_91 = arith.mulf %sub3A_89, %sub3A_90 : vector<8x128xf32>
    %iota3A = tpu.iota {dimensions = array<i32: 0>} : vector<8x128xi32>
    %mul3A_92 = arith.constant 128 : i32
    %mul3A_93 = vector.broadcast %mul3A_92 : i32 to vector<8x128xi32>
    %mul3A_94 = arith.muli %iota3A, %mul3A_93 : vector<8x128xi32>
    %iota3A_95 = tpu.iota {dimensions = array<i32: 1>} : vector<8x128xi32>
    %add3A_96 = arith.addi %mul3A_94, %iota3A_95 : vector<8x128xi32>
    %lt3A = arith.constant 1000 : i32
    %lt3A_97 = vector.broadcast %lt3A : i32 to vector<8x128xi32>
    %lt3A_98 = arith.cmpi slt, %add3A_96, %lt3A_97 : vector<8x128xi32>
    %get3A_99 = arith.constant 0 : index
    %get3A_100 = arith.constant 0 : index
    %get3A_101 = vector.load %arg0[%get3A_99, %get3A_100] : memref<8x128xf32, #tpu.memory_space<vmem>>, vector<8x128xf32>
    %jit3A = arith.constant -1.000000e+30 : f32
    %broadcast_in_dim3A = vector.broadcast %jit3A : f32 to vector<8x128xf32>
    %select_n3A = arith.select %lt3A_98, %get3A_101, %broadcast_in_dim3A : vector<8x128xi1>, vector<8x128xf32>
    %broadcast_in_dim3A_102 = arith.constant 0.000000e+00 : f32
    %broadcast_in_dim3A_103 = vector.broadcast %broadcast_in_dim3A_102 : f32 to vector<8x128xf32>
    %broadcast_in_dim3A_104 = arith.constant 0 : i32
    %broadcast_in_dim3A_105 = vector.broadcast %broadcast_in_dim3A_104 : i32 to vector<8x128xi32>
    %scan3A = arith.constant 0 : i32
    %scan3A_106 = arith.constant 100 : i32
    %scan3A_107 = arith.addi %scan3A, %scan3A_106 : i32
    %scan3A_108 = arith.constant 1 : i32
    %scan3A_109:6 = scf.for %scan3A_125 = %scan3A to %scan3A_107 step %scan3A_108 iter_args(%scan3A_126 = %select_n3A, %scan3A_127 = %broadcast_in_dim3A_105, %scan3A_128 = %broadcast_in_dim3A_103, %scan3A_129 = %broadcast_in_dim3A_103, %scan3A_130 = %broadcast_in_dim3A_103, %scan3A_131 = %broadcast_in_dim3A_103) -> (vector<8x128xf32>, vector<8x128xi32>, vector<8x128xf32>, vector<8x128xf32>, vector<8x128xf32>, vector<8x128xf32>)  : i32 {
      %reduce_max3A = vector.shape_cast %scan3A_126 : vector<8x128xf32> to vector<1x8x128xf32>
      %reduce_max3A_132 = arith.constant dense<0xFF800000> : vector<1xf32>
      %reduce_max3A_133 = vector.multi_reduction <maximumf>, %reduce_max3A, %reduce_max3A_132 [1, 2] : vector<1x8x128xf32> to vector<1xf32>
      %reduce_max3A_134 = vector.shape_cast %reduce_max3A_133 : vector<1xf32> to vector<1x1x1xf32>
      %reduce_max3A_135 = vector.extract %reduce_max3A_134[0, 0, 0] : f32 from vector<1x1x1xf32>
      %eq3A = vector.broadcast %reduce_max3A_135 : f32 to vector<8x128xf32>
      %eq3A_136 = arith.cmpf oeq, %scan3A_126, %eq3A : vector<8x128xf32>
      %jit3A_137 = arith.constant 2147483647 : i32
      %broadcast_in_dim3A_138 = vector.broadcast %jit3A_137 : i32 to vector<8x128xi32>
      %select_n3A_139 = arith.select %eq3A_136, %add3A_96, %broadcast_in_dim3A_138 : vector<8x128xi1>, vector<8x128xi32>
      %reduce_min3A = vector.shape_cast %select_n3A_139 : vector<8x128xi32> to vector<1x8x128xi32>
      %reduce_min3A_140 = arith.constant dense<2147483647> : vector<1xi32>
      %reduce_min3A_141 = vector.multi_reduction <minsi>, %reduce_min3A, %reduce_min3A_140 [1, 2] : vector<1x8x128xi32> to vector<1xi32>
      %reduce_min3A_142 = vector.shape_cast %reduce_min3A_141 : vector<1xi32> to vector<1x1x1xi32>
      %reduce_min3A_143 = vector.extract %reduce_min3A_142[0, 0, 0] : i32 from vector<1x1x1xi32>
      %eq3A_144 = vector.broadcast %reduce_min3A_143 : i32 to vector<8x128xi32>
      %eq3A_145 = arith.cmpi eq, %add3A_96, %eq3A_144 : vector<8x128xi32>
      %jit3A_146 = arith.constant 0.000000e+00 : f32
      %broadcast_in_dim3A_147 = vector.broadcast %jit3A_146 : f32 to vector<8x128xf32>
      %select_n3A_148 = arith.select %eq3A_145, %min3A_61, %broadcast_in_dim3A_147 : vector<8x128xi1>, vector<8x128xf32>
      %reduce_sum3A = vector.shape_cast %select_n3A_148 : vector<8x128xf32> to vector<1x8x128xf32>
      %reduce_sum3A_149 = arith.constant dense<0.000000e+00> : vector<1xf32>
      %reduce_sum3A_150 = vector.multi_reduction <add>, %reduce_sum3A, %reduce_sum3A_149 [1, 2] : vector<1x8x128xf32> to vector<1xf32>
      %reduce_sum3A_151 = vector.shape_cast %reduce_sum3A_150 : vector<1xf32> to vector<1x1x1xf32>
      %reduce_sum3A_152 = vector.extract %reduce_sum3A_151[0, 0, 0] : f32 from vector<1x1x1xf32>
      %jit3A_153 = arith.constant 0.000000e+00 : f32
      %broadcast_in_dim3A_154 = vector.broadcast %jit3A_153 : f32 to vector<8x128xf32>
      %select_n3A_155 = arith.select %eq3A_145, %min3A_70, %broadcast_in_dim3A_154 : vector<8x128xi1>, vector<8x128xf32>
      %reduce_sum3A_156 = vector.shape_cast %select_n3A_155 : vector<8x128xf32> to vector<1x8x128xf32>
      %reduce_sum3A_157 = arith.constant dense<0.000000e+00> : vector<1xf32>
      %reduce_sum3A_158 = vector.multi_reduction <add>, %reduce_sum3A_156, %reduce_sum3A_157 [1, 2] : vector<1x8x128xf32> to vector<1xf32>
      %reduce_sum3A_159 = vector.shape_cast %reduce_sum3A_158 : vector<1xf32> to vector<1x1x1xf32>
      %reduce_sum3A_160 = vector.extract %reduce_sum3A_159[0, 0, 0] : f32 from vector<1x1x1xf32>
      %jit3A_161 = arith.constant 0.000000e+00 : f32
      %broadcast_in_dim3A_162 = vector.broadcast %jit3A_161 : f32 to vector<8x128xf32>
      %select_n3A_163 = arith.select %eq3A_145, %min3A_79, %broadcast_in_dim3A_162 : vector<8x128xi1>, vector<8x128xf32>
      %reduce_sum3A_164 = vector.shape_cast %select_n3A_163 : vector<8x128xf32> to vector<1x8x128xf32>
      %reduce_sum3A_165 = arith.constant dense<0.000000e+00> : vector<1xf32>
      %reduce_sum3A_166 = vector.multi_reduction <add>, %reduce_sum3A_164, %reduce_sum3A_165 [1, 2] : vector<1x8x128xf32> to vector<1xf32>
      %reduce_sum3A_167 = vector.shape_cast %reduce_sum3A_166 : vector<1xf32> to vector<1x1x1xf32>
      %reduce_sum3A_168 = vector.extract %reduce_sum3A_167[0, 0, 0] : f32 from vector<1x1x1xf32>
      %jit3A_169 = arith.constant 0.000000e+00 : f32
      %broadcast_in_dim3A_170 = vector.broadcast %jit3A_169 : f32 to vector<8x128xf32>
      %select_n3A_171 = arith.select %eq3A_145, %min3A_88, %broadcast_in_dim3A_170 : vector<8x128xi1>, vector<8x128xf32>
      %reduce_sum3A_172 = vector.shape_cast %select_n3A_171 : vector<8x128xf32> to vector<1x8x128xf32>
      %reduce_sum3A_173 = arith.constant dense<0.000000e+00> : vector<1xf32>
      %reduce_sum3A_174 = vector.multi_reduction <add>, %reduce_sum3A_172, %reduce_sum3A_173 [1, 2] : vector<1x8x128xf32> to vector<1xf32>
      %reduce_sum3A_175 = vector.shape_cast %reduce_sum3A_174 : vector<1xf32> to vector<1x1x1xf32>
      %reduce_sum3A_176 = vector.extract %reduce_sum3A_175[0, 0, 0] : f32 from vector<1x1x1xf32>
      %jit3A_177 = arith.constant 0.000000e+00 : f32
      %broadcast_in_dim3A_178 = vector.broadcast %jit3A_177 : f32 to vector<8x128xf32>
      %select_n3A_179 = arith.select %eq3A_145, %mul3A_91, %broadcast_in_dim3A_178 : vector<8x128xi1>, vector<8x128xf32>
      %reduce_sum3A_180 = vector.shape_cast %select_n3A_179 : vector<8x128xf32> to vector<1x8x128xf32>
      %reduce_sum3A_181 = arith.constant dense<0.000000e+00> : vector<1xf32>
      %reduce_sum3A_182 = vector.multi_reduction <add>, %reduce_sum3A_180, %reduce_sum3A_181 [1, 2] : vector<1x8x128xf32> to vector<1xf32>
      %reduce_sum3A_183 = vector.shape_cast %reduce_sum3A_182 : vector<1xf32> to vector<1x1x1xf32>
      %reduce_sum3A_184 = vector.extract %reduce_sum3A_183[0, 0, 0] : f32 from vector<1x1x1xf32>
      %max3A_185 = vector.broadcast %reduce_sum3A_152 : f32 to vector<8x128xf32>
      %max3A_186 = arith.maximumf %max3A_185, %min3A_61 : vector<8x128xf32>
      %max3A_187 = vector.broadcast %reduce_sum3A_160 : f32 to vector<8x128xf32>
      %max3A_188 = arith.maximumf %max3A_187, %min3A_70 : vector<8x128xf32>
      %min3A_189 = vector.broadcast %reduce_sum3A_168 : f32 to vector<8x128xf32>
      %min3A_190 = arith.minimumf %min3A_189, %min3A_79 : vector<8x128xf32>
      %min3A_191 = vector.broadcast %reduce_sum3A_176 : f32 to vector<8x128xf32>
      %min3A_192 = arith.minimumf %min3A_191, %min3A_88 : vector<8x128xf32>
      %sub3A_193 = arith.subf %min3A_190, %max3A_186 : vector<8x128xf32>
      %max3A_194 = arith.constant 0.000000e+00 : f32
      %max3A_195 = vector.broadcast %max3A_194 : f32 to vector<8x128xf32>
      %max3A_196 = arith.maximumf %sub3A_193, %max3A_195 : vector<8x128xf32>
      %sub3A_197 = arith.subf %min3A_192, %max3A_188 : vector<8x128xf32>
      %max3A_198 = arith.constant 0.000000e+00 : f32
      %max3A_199 = vector.broadcast %max3A_198 : f32 to vector<8x128xf32>
      %max3A_200 = arith.maximumf %sub3A_197, %max3A_199 : vector<8x128xf32>
      %mul3A_201 = arith.mulf %max3A_196, %max3A_200 : vector<8x128xf32>
      %add3A_202 = vector.broadcast %reduce_sum3A_184 : f32 to vector<8x128xf32>
      %add3A_203 = arith.addf %add3A_202, %mul3A_91 : vector<8x128xf32>
      %sub3A_204 = arith.subf %add3A_203, %mul3A_201 : vector<8x128xf32>
      %add3A_205 = arith.constant 9.99999971E-10 : f32
      %add3A_206 = vector.broadcast %add3A_205 : f32 to vector<8x128xf32>
      %add3A_207 = arith.addf %sub3A_204, %add3A_206 : vector<8x128xf32>
      %div3A = arith.divf %mul3A_201, %add3A_207 : vector<8x128xf32>
      %ge3A = arith.constant 5.000000e-01 : f32
      %ge3A_208 = vector.broadcast %ge3A : f32 to vector<8x128xf32>
      %ge3A_209 = arith.cmpf oge, %div3A, %ge3A_208 : vector<8x128xf32>
      %jit3A_210 = arith.constant -1.000000e+30 : f32
      %broadcast_in_dim3A_211 = vector.broadcast %jit3A_210 : f32 to vector<8x128xf32>
      %select_n3A_212 = arith.select %ge3A_209, %broadcast_in_dim3A_211, %scan3A_126 : vector<8x128xi1>, vector<8x128xf32>
      %jit3A_213 = arith.constant -1.000000e+30 : f32
      %broadcast_in_dim3A_214 = vector.broadcast %jit3A_213 : f32 to vector<8x128xf32>
      %select_n3A_215 = arith.select %eq3A_145, %broadcast_in_dim3A_214, %select_n3A_212 : vector<8x128xi1>, vector<8x128xf32>
      %eq3A_216 = vector.broadcast %scan3A_125 : i32 to vector<8x128xi32>
      %eq3A_217 = arith.cmpi eq, %add3A_96, %eq3A_216 : vector<8x128xi32>
      %broadcast_in_dim3A_218 = vector.broadcast %reduce_min3A_143 : i32 to vector<8x128xi32>
      %select_n3A_219 = arith.select %eq3A_217, %broadcast_in_dim3A_218, %scan3A_127 : vector<8x128xi1>, vector<8x128xi32>
      %broadcast_in_dim3A_220 = vector.broadcast %reduce_sum3A_152 : f32 to vector<8x128xf32>
      %select_n3A_221 = arith.select %eq3A_217, %broadcast_in_dim3A_220, %scan3A_128 : vector<8x128xi1>, vector<8x128xf32>
      %broadcast_in_dim3A_222 = vector.broadcast %reduce_sum3A_160 : f32 to vector<8x128xf32>
      %select_n3A_223 = arith.select %eq3A_217, %broadcast_in_dim3A_222, %scan3A_129 : vector<8x128xi1>, vector<8x128xf32>
      %broadcast_in_dim3A_224 = vector.broadcast %reduce_sum3A_168 : f32 to vector<8x128xf32>
      %select_n3A_225 = arith.select %eq3A_217, %broadcast_in_dim3A_224, %scan3A_130 : vector<8x128xi1>, vector<8x128xf32>
      %broadcast_in_dim3A_226 = vector.broadcast %reduce_sum3A_176 : f32 to vector<8x128xf32>
      %select_n3A_227 = arith.select %eq3A_217, %broadcast_in_dim3A_226, %scan3A_131 : vector<8x128xi1>, vector<8x128xf32>
      scf.yield %select_n3A_215, %select_n3A_219, %select_n3A_221, %select_n3A_223, %select_n3A_225, %select_n3A_227 : vector<8x128xf32>, vector<8x128xi32>, vector<8x128xf32>, vector<8x128xf32>, vector<8x128xf32>, vector<8x128xf32>
    }
    %scan3A_110 = arith.constant 100 : i32
    %swap3A = arith.constant 0 : index
    %swap3A_111 = arith.constant 0 : index
    %swap3A_112 = vector.load %arg10[%swap3A, %swap3A_111] : memref<8x128xi32, #tpu.memory_space<vmem>>, vector<8x128xi32>
    tpu.vector_store %arg10[%swap3A, %swap3A_111], %scan3A_109#1 {strides = array<i32>} : memref<8x128xi32, #tpu.memory_space<vmem>>, vector<8x128xi32>,
    %swap3A_113 = arith.constant 0 : index
    %swap3A_114 = arith.constant 0 : index
    %swap3A_115 = vector.load %arg11[%swap3A_113, %swap3A_114] : memref<8x128xf32, #tpu.memory_space<vmem>>, vector<8x128xf32>
    tpu.vector_store %arg11[%swap3A_113, %swap3A_114], %scan3A_109#2 {strides = array<i32>} : memref<8x128xf32, #tpu.memory_space<vmem>>, vector<8x128xf32>,
    %swap3A_116 = arith.constant 0 : index
    %swap3A_117 = arith.constant 0 : index
    %swap3A_118 = vector.load %arg12[%swap3A_116, %swap3A_117] : memref<8x128xf32, #tpu.memory_space<vmem>>, vector<8x128xf32>
    tpu.vector_store %arg12[%swap3A_116, %swap3A_117], %scan3A_109#3 {strides = array<i32>} : memref<8x128xf32, #tpu.memory_space<vmem>>, vector<8x128xf32>,
    %swap3A_119 = arith.constant 0 : index
    %swap3A_120 = arith.constant 0 : index
    %swap3A_121 = vector.load %arg13[%swap3A_119, %swap3A_120] : memref<8x128xf32, #tpu.memory_space<vmem>>, vector<8x128xf32>
    tpu.vector_store %arg13[%swap3A_119, %swap3A_120], %scan3A_109#4 {strides = array<i32>} : memref<8x128xf32, #tpu.memory_space<vmem>>, vector<8x128xf32>,
    %swap3A_122 = arith.constant 0 : index
    %swap3A_123 = arith.constant 0 : index
    %swap3A_124 = vector.load %arg14[%swap3A_122, %swap3A_123] : memref<8x128xf32, #tpu.memory_space<vmem>>, vector<8x128xf32>
    tpu.vector_store %arg14[%swap3A_122, %swap3A_123], %scan3A_109#5 {strides = array<i32>} : memref<8x128xf32, #tpu.memory_space<vmem>>, vector<8x128xf32>,
    return
  }
}

module attributes {stable_mosaic.version = 14 : i64} {
  func.func @_k6_body(%arg0: memref<128x1xi32, #tpu.memory_space<vmem>>, %arg1: memref<1024x1024xf32, #tpu.memory_space<vmem>>, %arg2: memref<1024x1792xf32, #tpu.memory_space<vmem>>, %arg3: memref<128x1024xf32, #tpu.memory_space<vmem>>, %arg4: memref<128x1792xf32, #tpu.memory_space<vmem>>) attributes {dimension_semantics = [], scalar_prefetch = 0 : i64, scratch_operands = 0 : i64, tpu.core_type = #tpu.core_type<tc>} {
    %iota3A = tpu.iota {dimensions = array<i32: 1>} : vector<128x1024xi32>
    %get3A = arith.constant 0 : index
    %get3A_0 = arith.constant 0 : index
    %get3A_1 = vector.load %arg0[%get3A, %get3A_0] : memref<128x1xi32, #tpu.memory_space<vmem>>, vector<128x1xi32>
    %eq3A = vector.broadcast %get3A_1 : vector<128x1xi32> to vector<128x1024xi32>
    %eq3A_2 = arith.cmpi eq, %iota3A, %eq3A : vector<128x1024xi32>
    %convert_element_type3A = arith.extui %eq3A_2 : vector<128x1024xi1> to vector<128x1024xi32>
    %convert_element_type3A_3 = arith.sitofp %convert_element_type3A : vector<128x1024xi32> to vector<128x1024xf32>
    %get3A_4 = arith.constant 0 : index
    %get3A_5 = arith.constant 0 : index
    %get3A_6 = vector.load %arg1[%get3A_4, %get3A_5] : memref<1024x1024xf32, #tpu.memory_space<vmem>>, vector<1024x1024xf32>
    %dot_general3A = arith.constant dense<0.000000e+00> : vector<128x1024xf32>
    %dot_general3A_7 = tpu.matmul %convert_element_type3A_3, %get3A_6, %dot_general3A {dimension_numbers = #tpu.dot_dimension_numbers<[1], [0], [0], [1], [0, 0, 1, 1], [], []>, precision = #tpu.contract_precision<fp32>, transpose_lhs_hint = false} : vector<128x1024xf32>, vector<1024x1024xf32>, vector<128x1024xf32> -> vector<128x1024xf32>
    %swap3A = arith.constant 0 : index
    %swap3A_8 = arith.constant 0 : index
    %swap3A_9 = vector.load %arg3[%swap3A, %swap3A_8] : memref<128x1024xf32, #tpu.memory_space<vmem>>, vector<128x1024xf32>
    tpu.vector_store %arg3[%swap3A, %swap3A_8], %dot_general3A_7 {strides = array<i32>} : memref<128x1024xf32, #tpu.memory_space<vmem>>, vector<128x1024xf32>,
    %get3A_10 = arith.constant 0 : index
    %get3A_11 = arith.constant 0 : index
    %get3A_12 = vector.load %arg2[%get3A_10, %get3A_11] : memref<1024x1792xf32, #tpu.memory_space<vmem>>, vector<1024x1792xf32>
    %dot_general3A_13 = arith.constant dense<0.000000e+00> : vector<128x1792xf32>
    %dot_general3A_14 = tpu.matmul %convert_element_type3A_3, %get3A_12, %dot_general3A_13 {dimension_numbers = #tpu.dot_dimension_numbers<[1], [0], [0], [1], [0, 0, 1, 1], [], []>, precision = #tpu.contract_precision<fp32>, transpose_lhs_hint = false} : vector<128x1024xf32>, vector<1024x1792xf32>, vector<128x1792xf32> -> vector<128x1792xf32>
    %swap3A_15 = arith.constant 0 : index
    %swap3A_16 = arith.constant 0 : index
    %swap3A_17 = vector.load %arg4[%swap3A_15, %swap3A_16] : memref<128x1792xf32, #tpu.memory_space<vmem>>, vector<128x1792xf32>
    tpu.vector_store %arg4[%swap3A_15, %swap3A_16], %dot_general3A_14 {strides = array<i32>} : memref<128x1792xf32, #tpu.memory_space<vmem>>, vector<128x1792xf32>,
    return
  }
}

</mosaic_0001>

<sc_bundles>
// kernel: sparse-core-data-format-call.1.cloned.1.call-start
scs
called_computation.1_lowered:
.L_overlay_start_0:
0x0: {  	s2 =	sld [smem:$0x3FD9]  }
0x1: {  	s3 =	sld [smem:$0x3FFE];
	_ =	sdelay $0x1  }
0x2: {  	s1 =	srdreg.scid  }
0x3: {  	s0 =	sand.u32 $0x1, s1  }
0x4: {  	s18 =	sshll.u32 s0, $0xA;
	s2 =	sadd.s32 s3, s2  }
0x5: {  	s2 =	sadd.s32 s2, s18  }
0x6: {  	[smem:$0x3FBC] =	sst s2  }
0x7: {  	_ = 	snop  }
0x8: {  	(tm) =	ssettm $0x1  }
0x9: {  	s19 =	sld [smem:$0x3FFB];
	_ =	sdelay $0x3  }
0xa: {  	_ =	strace s19  }
0xb: {  	s2 =	sld [smem:$0x3FFC];
	_ =	sdelay $0x3  }
0xc: {  	_ =	strace s2  }
0xd: {  	s2 =	sld [smem:$0x3FFD];
	_ =	sdelay $0x3  }
0xe: {  	_ =	strace s2  }
0xf: {  	_ =	strace $0x8FFFFFFF  }
0x10: {  	s20 =	sld [smem:$0x3FDB];
	_ =	sdelay $0x1  }
0x11: {  	s21 =	simm.s32 $_scs_section_size  }
0x12: {  	s4 =	simm.s32 $_size__tile_overlayer_lowered;
	s5 =	simm.s32 $_tile_overlayer_lowered  }
0x13: {  	s6 =	simm.s32 $0x1BFF;
	s22 =	sshll.u32 s5, $0x1;
	s3 =	sadd.s32 s21, s20  }
0x14: {  	s23 =	simm.s32 $0x0;
	s4 =	sshll.u32 s4, $0x1;
	s5 =	sadd.s32 s22, s3  }
0x15: {  	[timem:s23], [sflag:s6] =	dma.local [hbm:s5], s4  }
0x16: {  	_ =	swait.ge [sflag:s6], s4  }
0x17: {  	s4 =	ssub.s32 $0x0, s4;
	[sflag:s6] =	ssyncset.done $0x0  }
0x18: {  	[sflag:s6] =	ssyncadd.s32 s4;
	_ =	sdelay $0x1  }
0x19: {  	s24 =	simm.s32 $0x1B8B  }
0x1a: {  	_ =	swait.ge [sflag:s24], $0x1  }
0x1b: {  	[sflag:s24] =	ssyncset.done $0x0  }
0x1c: {  	[sflag:s24] =	ssyncadd.s32 $0xFFFFFFFF  }
0x1d: {  	s4 =	sld [smem:$0x0]  }
0x1e: {  	s5 =	sand.u32 $0xFFFFFFFE, s1  }
0x1f: {  	p0 =	sne.s32 s1, s5  }
0x20: {  	s5 =	sshll.u32 @p0 s5, $0xE  }
0x21: {  	s5 =	sadd.s32 @p0 $0x11B8D, s5;
	s6 =	sshll.u32 @p0 s4, $0x11  }
0x22: {  	s5 =	sor.u32 @p0 s6, s5  }
0x23: {  	[sflag:s5] =	ssyncadd.remote.s32 @p0 $0x1;
	_ =	sdelay $0x1  }
0x24: {  	s5 =	simm.s32 @p0 $0x1B8D  }
0x25: {  	_ =	swait.eq @p0 [sflag:s5], $0x1  }
0x26: {  	[sflag:s5] =	ssyncadd.s32 @p0 $0xFFFFFFFF  }
0x27: {  	s6 =	sshll.u32 @!p0 s1, $0xE  }
0x28: {  	s6 =	sor.u32 @!p0 $0x4000, s6;
	s5 =	simm.s32 @!p0 $0x1B8D  }
0x29: {  	s4 =	sshll.u32 @!p0 s4, $0x11;
	s6 =	sadd.s32 @!p0 $0x11B8D, s6;
	_ =	swait.eq @!p0 [sflag:s5], $0x1  }
0x2a: {  	s4 =	sor.u32 @!p0 s4, s6;
	[sflag:s5] =	ssyncadd.s32 @!p0 $0xFFFFFFFF  }
0x2b: {  	s26 =	simm.s32 $0x1B8E;
	s25 =	sld [smem:$0x3FFE];
	[sflag:s4] =	ssyncadd.remote.s32 @!p0 $0x1  }
0x2c: {  	s27 =	simm.s32 $execute0_lowered;
	[smem:$0x3FD2] =	sst s26  }
0x2d: {  	s5 =	sshll.u32 s27, $0x1;
	_ =	strace $0x8000004C;
	[dreg:$0x1] =	wrdreg $0xFFFFFFFF  }
0x2e: {  	s28 =	simm.s32 $_size_execute0_lowered;
	s3 =	sadd.s32 s3, s5;
	[dreg:$0x0] =	wrdreg $0x0  }
0x2f: {  	s5 =	sshll.u32 s28, $0x1;
	[dreg:$0x2] =	wrdreg s3  }
0x30: {  	[dreg:$0x3] =	wrdreg s5  }
0x31: {  	[dreg:$0x4] =	wrdreg $0xC0  }
0x32: {  	_ =	task [dreg:s23], $0x5FFFF  }
0x33: {  	[dreg:$0x1] =	wrdreg $0xFFFFFFFF  }
0x34: {  	[dreg:$0x0] =	wrdreg $0x60  }
0x35: {  	[dreg:$0x2] =	wrdreg s25  }
0x36: {  	[dreg:$0x3] =	wrdreg $0xA  }
0x37: {  	_ =	task.clear_ibuf [dreg:s23], $0x4FFFF;
	_ =	strace $0x9000004C  }
0x38: {  	s29 =	simm.s32 $0xA;
	_ =	strace $0x8000004E  }
0x39: {  	_ =	swait.ge [sflag:s29], $0x1  }
0x3a: {  	[sflag:s29] =	ssyncadd.s32 $0xFFFFFFFF  }
0x3b: {  	_ =	strace $0x9000004E  }
0x3c: {  	_ =	sfence  }
0x3d: {  	s30 =	sld [smem:$0x0];
	_ =	sdelay $0x2  }
0x3e: {  	s31 =	sshll.u32 s1, $0xD;
	s1 =	sshrl.u32 s1, $0x2  }
0x3f: {  	s4 =	sand.u32 $0x4000, s31;
	s1 =	sadd.s32 s1, s30  }
0x40: {  	s0 =	sor.u32 s4, s0;
	s1 =	sshll.u32 s1, $0x11  }
0x41: {  	s0 =	sor.u32 s1, s0  }
0x42: {  	s0 =	sadd.s32 $0x8F2B, s0  }
0x43: {  	[sflag:s0] =	ssyncadd.remote.s32 $0x1  }
0x44: {  	_ =	sfence.sel $0xFFFF  }
0x45: {  	[dreg:$0x0] =	wrdreg $0xFFFFFFFF;
	(pc) =	sbr.abs _section_cstart, $3  }
0x46: {  	[dreg:$0x1] =	wrdreg $0xFFFFFFFF  }
0x47: {  	_ =	task.clear_ibuf [dreg:s23], $0x2FFFF;
	_ =	strace $0x9FFFFFFF  }
0x48: {  	(tm) =	ssettm $0x7FFFFFFF  }
0x49: {  	_ =	shalt  }
tec
execute0_lowered:
.L_overlay_start_1:
0x0: {  	(tag) =	ssettag $0x1  }
0x1: {  	s0 =	stileid.u32  }
0x2: {  	s1 =	srdreg.scid;
	s7 =	rddreg [dreg:$0x0]  }
0x3: {  	s8 =	simm.s32 $0x2;
	s2 =	sshll.u32 s0, $0x4;
	s3 =	sshll.u32 s1, $0x8  }
0x4: {  	s16 =	simm.s32 $0x0;
	s1 =	sand.u32 $0x70, s2;
	s2 =	sor.u32 s2, s3  }
0x5: {  	s9 =	simm.s32 $0x12000;
	s2 =	sand.u32 $0x180, s2;
	s30 =	ssub.s32 $0x80, s1  }
0x6: {  	s10 =	simm.s32 $0x0;
	s4 =	sand.u32 $0x70, s30;
	s5 =	ssub.s32 $0x400, s2  }
0x7: {  	p0 =	sne.s32 s4, $0x0;
	s4 =	simm.s32 $0x1;
	s6 =	sand.u32 $0x180, s5  }
0x8: {  	s4 =	simm.s32 @!p0 $0x0;
	p0 =	sne.s32 s6, $0x0;
	s6 =	simm.s32 $0x1  }
0x9: {  	s3 =	sshrl.u32 s30, $0x7;
	s5 =	sshrl.u32 s5, $0x9;
	s6 =	simm.s32 @!p0 $0x0  }
0xa: {  	s17 =	simm.s32 $0x0;
	s3 =	sadd.s32 s4, s3;
	s31 =	sadd.s32 s6, s5  }
0xb: {  	s18 =	simm.s32 $0x0;
	s19 =	simm.s32 $0x0;
	s5 =	smul.u32 s31, s3  }
.Ltmp0:
0xc: {  	s12 =	simm.s32 $0x0;
	s13 =	simm.s32 $0x0;
	(pc) =	sbr.rel .LBB1_1-.Ltmp0, $4  }
0xd: {  	s15 =	simm.s32 $0x0;
	s14 =	smov.u32 s1;
	s4 =	simm.s32 $0x1  }
0xe: {  	s3 =	rddreg [dreg:$0x1];
	_ =	strace $0x8000004D;
	s5 =	smul.u32 $0x9, s5  }
0xf: {  	s11 =	smov.u32 s2;
	s6 =	sadd.s32 $0x122200, s7;
	[sflag:s4] =	ssyncpa.u1 $0x0  }
0x10: {  	s7 =	sadd.s32 $0x2200, s7;
	[sflag:s8] =	ssyncpa.u1 $0x0;
	s8 =	sadd.s32 $0x1, s5  }
.LBB1_7:
0x11: {  	s20 =	sadd.s32 $0x200, s11  }
0x12: {  	s16 =	simm.s32 $0x1;
	p1 =	sgt.s32 s20, $0x3FF  }
0x13: {  	s16 =	simm.s32 @!p1 $0x0  }
0x14: {  	s21 =	sadd.s32 s16, s12  }
0x15: {  	s22 =	smov.u32 s13;
	s16 =	sadd.s32 $0x8, s13;
	p2 =	sgt.s32 s21, $0x8  }
0x16: {  	s22 =	smov.u32 @p2 s16  }
0x17: {  	s23 =	smov.u32 s14;
	s16 =	sadd.s32 $0x80, s14;
	p3 =	sgt.s32 s22, $0x7  }
0x18: {  	p0 =	slt.u32 s15, $0x2;
	s23 =	smov.u32 @p3 s16  }
0x19: {  	s17 =	smov.u32 s12;
	s20 =	smov.u32 @p1 s2;
	p1 =	sgt.s32 s23, $0x7F  }
0x1a: {  	s24 =	simm.s32 @!p0 $0x2;
	s23 =	smov.u32 @p1 s1;
	p1 =	sne.s32 s15, s8  }
.Ltmp1:
0x1b: {  	s18 =	smov.u32 s13;
	_ =	swait.ge @!p0 [sflag:s24], $0x4000;
	(pc) =	sbr.rel @!p1 .LBB1_8-.Ltmp1, $4  }
0x1c: {  	s19 =	smov.u32 s14;
	[sflag:s24] =	ssyncset.done @!p0 $0x0;
	s21 =	simm.s32 @p2 $0x0  }
0x1d: {  	s10 =	sadd.s32 $0x4000, s10;
	[sflag:s24] =	ssyncadd.s32 @!p0 $0xFFFFC000;
	s12 =	smov.u32 s21  }
0x1e: {  	s22 =	simm.s32 @p3 $0x0;
	s16 =	smov.u32 s11;
	s11 =	smov.u32 s20  }
0x1f: {  	s13 =	smov.u32 s22;
	s15 =	sadd.s32 $0x1, s15;
	s14 =	smov.u32 s23  }
.LBB1_1:
0x20: {  	p0 =	sge.u32 s15, s5;
	s31 =	sadd.s32 $0xFFFFFFFF, s15  }
0x21: {  	s20 =	sxor.u32 @!p0 $0xFFFFFFFF, s15;
	s21 =	sshll.u32 @!p0 s12, $0x7;
	s22 =	sand.u32 @!p0 $0x78, s11  }
0x22: {  	s24 =	sshll.u32 @!p0 s13, $0xB;
	s20 =	sshll.u32 @!p0 s20, $0xE;
	s23 =	sand.u32 @!p0 $0x380, s21  }
0x23: {  	s21 =	sand.u32 @!p0 $0x400, s21;
	s22 =	sor.u32 @!p0 s22, s23;
	s23 =	sshll.u32 @!p0 s14, $0xE  }
0x24: {  	s20 =	sand.u32 @!p0 $0x4000, s20;
	s21 =	sadd.s32 @!p0 s11, s21;
	s23 =	sadd.s32 @!p0 s6, s23  }
0x25: {  	s22 =	sshrl.u32 @!p0 s22, $0x3;
	s23 =	sadd.s32 @!p0 s24, s23;
	s24 =	sand.u32 @!p0 $0x7, s11  }
0x26: {  	s21 =	sand.u32 @!p0 $0x780, s21;
	s22 =	sadd.s32 @!p0 s22, s23;
	s23 =	sshll.u32 @!p0 s24, $0x12  }
0x27: {  	s21 =	sadd.s32 @!p0 s21, s22;
	s22 =	sor.u32 @!p0 $0x80, s23;
	s23 =	simm.s32 @!p0 $0x4000  }
0x28: {  	[tilespmem:s20], [sflag:$0x1] =	stream.strided.gather @!p0 [hbm4b:s21+s22], $0x4000, s23, s22, $0x38;
	[tilespmem:$0x10000] =	vst v63  }
0x29: {  	p0 =	sge.u32 s31, s5  }
.Ltmp2:
0x2a: {  	_ = 	snop;
	(pc) =	sbr.rel @p0 .LBB1_7-.Ltmp2, $1  }
0x2b: {  	_ =	sdelay $0x3  }
0x2c: {  	s20 =	sand.u32 $0x4000, s10  }
0x2d: {  	_ =	swait.ge [sflag:s4], $0x4000;
	s23 =	sshll.u32 s15, $0xE;
	s21 =	sor.u32 $0x70, s20  }
0x2e: {  	s22 =	sor.u32 $0x8040, s20;
	[sflag:s4] =	ssyncset.done $0x0;
	s31 =	sand.u32 $0x4000, s23  }
0x2f: {  	s23 =	simm.s32 $0x0;
	[sflag:s4] =	ssyncadd.s32 $0xFFFFC000;
	s20 =	sor.u32 $0x8000, s31  }
.LBB1_3:
0x30: {  	v1 =	vmov s21;
	_ =	sdelay $0x3  }
0x31: {  	s24 =	simm.s32 $0x0  }
0x32: {  	v7 =	vld.idx.msk [tilespmem:v1+s24+$0x0 ss:$0x1], $0xffff  }
0x33: {  	v0 =	vmov s22;
	v8 =	vld.idx.msk [tilespmem:v1+s24+$0xFFFFFF90 ss:$0x1], $0xffff  }
0x34: {  	v6 =	vld.idx.msk [tilespmem:v1+s24+$0xFFFFFFA0 ss:$0x1], $0xffff  }
0x35: {  	v5 =	vld.idx.msk [tilespmem:v1+s24+$0xFFFFFFB0 ss:$0x1], $0xffff  }
0x36: {  	v4 =	vld.idx.msk [tilespmem:v1+s24+$0xFFFFFFC0 ss:$0x1], $0xffff  }
0x37: {  	v2 =	vld.idx.msk [tilespmem:v1+s24+$0xFFFFFFD0 ss:$0x1], $0xffff  }
0x38: {  	v3 =	vld.idx.msk [tilespmem:v1+s24+$0xFFFFFFE0 ss:$0x1], $0xffff;
	[tilespmem:v0+s24+$0x30 ss:$0x1] =	vst.idx.msk $0xffff, v7  }
0x39: {  	s25 =	simm.s32 $0x80;
	s26 =	simm.s32 $0x400;
	[tilespmem:v0+s24+$0xFFFFFFC0 ss:$0x1] =	vst.idx.msk $0xffff, v8;
	v7 =	vld.idx.msk [tilespmem:v1+s24+$0xFFFFFFF0 ss:$0x1], $0xffff  }
.LBB1_4:
0x3a: {  	p0 =	sne.s32 s26, $0xE00;
	v8 =	vld.idx.msk [tilespmem:v1+s25+$0x0 ss:$0x1], $0xffff;
	[tilespmem:v0+s24+$0xFFFFFFD0 ss:$0x1] =	vst.idx.msk $0xffff, v6  }
0x3b: {  	v9 =	vld.idx.msk [tilespmem:v1+s25+$0xFFFFFF90 ss:$0x1], $0xffff;
	[tilespmem:v0+s24+$0xFFFFFFE0 ss:$0x1] =	vst.idx.msk $0xffff, v5  }
0x3c: {  	v6 =	vld.idx.msk [tilespmem:v1+s25+$0xFFFFFFA0 ss:$0x1], $0xffff;
	[tilespmem:v0+s24+$0xFFFFFFF0 ss:$0x1] =	vst.idx.msk $0xffff, v4  }
.Ltmp3:
0x3d: {  	v5 =	vld.idx.msk [tilespmem:v1+s25+$0xFFFFFFB0 ss:$0x1], $0xffff;
	[tilespmem:v0+s24+$0x0 ss:$0x1] =	vst.idx.msk $0xffff, v2;
	(pc) =	sbr.rel @p0 .LBB1_4-.Ltmp3, $4  }
0x3e: {  	v4 =	vld.idx.msk [tilespmem:v1+s25+$0xFFFFFFC0 ss:$0x1], $0xffff;
	[tilespmem:v0+s24+$0x10 ss:$0x1] =	vst.idx.msk $0xffff, v3  }
0x3f: {  	v2 =	vld.idx.msk [tilespmem:v1+s25+$0xFFFFFFD0 ss:$0x1], $0xffff;
	[tilespmem:v0+s24+$0x20 ss:$0x1] =	vst.idx.msk $0xffff, v7;
	s24 =	smov.u32 s25  }
0x40: {  	v3 =	vld.idx.msk [tilespmem:v1+s24+$0xFFFFFFE0 ss:$0x1], $0xffff;
	[tilespmem:v0+s24+$0x30 ss:$0x1] =	vst.idx.msk $0xffff, v8  }
0x41: {  	s25 =	sshra.s32 s26, $0x2;
	s26 =	sadd.s32 $0x200, s26;
	[tilespmem:v0+s24+$0xFFFFFFC0 ss:$0x1] =	vst.idx.msk $0xffff, v9;
	v7 =	vld.idx.msk [tilespmem:v1+s24+$0xFFFFFFF0 ss:$0x1], $0xffff  }
0x42: {  	_ =	sdelay $0x3  }
0x43: {  	[tilespmem:v0+s24+$0xFFFFFFD0 ss:$0x1] =	vst.idx.msk $0xffff, v6  }
0x44: {  	v56 =	vld.idx.msk [tilespmem:v1+s25+$0x0 ss:$0x1], $0xffff;
	[tilespmem:v0+s24+$0xFFFFFFE0 ss:$0x1] =	vst.idx.msk $0xffff, v5  }
0x45: {  	v57 =	vld.idx.msk [tilespmem:v1+s25+$0xFFFFFF90 ss:$0x1], $0xffff;
	[tilespmem:v0+s24+$0xFFFFFFF0 ss:$0x1] =	vst.idx.msk $0xffff, v4  }
0x46: {  	v58 =	vld.idx.msk [tilespmem:v1+s25+$0xFFFFFFA0 ss:$0x1], $0xffff;
	[tilespmem:v0+s24+$0x0 ss:$0x1] =	vst.idx.msk $0xffff, v2  }
0x47: {  	v59 =	vld.idx.msk [tilespmem:v1+s25+$0xFFFFFFB0 ss:$0x1], $0xffff;
	[tilespmem:v0+s24+$0x10 ss:$0x1] =	vst.idx.msk $0xffff, v3  }
0x48: {  	v60 =	vld.idx.msk [tilespmem:v1+s25+$0xFFFFFFC0 ss:$0x1], $0xffff;
	[tilespmem:v0+s24+$0x20 ss:$0x1] =	vst.idx.msk $0xffff, v7  }
0x49: {  	v61 =	vld.idx.msk [tilespmem:v1+s25+$0xFFFFFFD0 ss:$0x1], $0xffff;
	[tilespmem:v0+s25+$0x30 ss:$0x1] =	vst.idx.msk $0xffff, v56  }
0x4a: {  	v62 =	vld.idx.msk [tilespmem:v1+s25+$0xFFFFFFE0 ss:$0x1], $0xffff;
	s23 =	sadd.s32 $0x1, s23;
	[tilespmem:v0+s25+$0xFFFFFFC0 ss:$0x1] =	vst.idx.msk $0xffff, v57  }
0x4b: {  	v63 =	vld.idx.msk [tilespmem:v1+s25+$0xFFFFFFF0 ss:$0x1], $0xffff;
	p0 =	sne.s32 s23, $0x10;
	[tilespmem:v0+s25+$0xFFFFFFD0 ss:$0x1] =	vst.idx.msk $0xffff, v58  }
.Ltmp4:
0x4c: {  	[tilespmem:v0+s25+$0xFFFFFFE0 ss:$0x1] =	vst.idx.msk $0xffff, v59;
	(pc) =	sbr.rel @p0 .LBB1_3-.Ltmp4, $4  }
0x4d: {  	[tilespmem:v0+s25+$0xFFFFFFF0 ss:$0x1] =	vst.idx.msk $0xffff, v60  }
0x4e: {  	[tilespmem:v0+s25+$0x0 ss:$0x1] =	vst.idx.msk $0xffff, v61  }
0x4f: {  	[tilespmem:v0+s25+$0x10 ss:$0x1] =	vst.idx.msk $0xffff, v62  }
0x50: {  	s21 =	sadd.s32 $0x400, s21;
	s22 =	sadd.s32 $0x400, s22;
	[tilespmem:v0+s25+$0x20 ss:$0x1] =	vst.idx.msk $0xffff, v63  }
0x51: {  	s18 =	sshll.u32 s18, $0x7;
	s19 =	smul.u32 $0x2400, s19  }
0x52: {  	s21 =	sand.u32 $0x78, s16;
	s17 =	sshll.u32 s17, $0xA;
	s30 =	sand.u32 $0x380, s16  }
.Ltmp5:
0x53: {  	s18 =	sand.u32 $0x380, s18;
	s19 =	sadd.s32 s7, s19;
	(pc) =	sbr.rel .LBB1_7-.Ltmp5, $4  }
0x54: {  	s31 =	sand.u32 $0x7, s16;
	s18 =	sor.u32 s18, s21;
	s17 =	sadd.s32 s17, s19  }
0x55: {  	s16 =	sshll.u32 s31, $0x12;
	s18 =	sshrl.u32 s18, $0x3;
	s17 =	sadd.s32 s30, s17  }
0x56: {  	s16 =	sor.u32 $0x400, s16;
	s17 =	sadd.s32 s18, s17  }
0x57: {  	[hbm4b:s17+s16] =	stream.strided.scatter [tilespmem:s20], [sflag:$0x2], $0x4000, s9, s16, $0x38;
	[tilespmem:$0x10000] =	vst v63  }
.LBB1_8:
0x58: {  	_ =	sfence.sel $0x180000  }
0x59: {  	s1 =	simm.s32 $0x1;
	[bflag:$0x0] =	sbarrier.arrive $0xFFFF  }
0x5a: {  	s31 =	simm.s32 $0x2;
	[sflag:s1] =	ssyncpa.u1 $0x1  }
0x5b: {  	[sflag:s31] =	ssyncpa.u1 $0x1  }
0x5c: {  	p0 =	sne.s32 s0, $0x0;
	_ =	strace $0x9000004D  }
0x5d: {  	s0 =	sadd.s32 @!p0 $0x100000, s3;
	[bflag:$0x2] =	sbarrier.arrive $0xFFFF  }
0x5e: {  	[sflag:s0] =	ssyncadd.tile.s32 @!p0 $0x1;
	_ =	shalt  }
.Lfunc_end1:
_tile_overlayer_lowered:
.L_overlay_start_2:
0x5f: {  	(tag) =	ssettag $0x2  }
0x60: {  	s0 =	rddreg [dreg:$0x0];
	s2 =	stileid.u32  }
0x61: {  	s1 =	rddreg [dreg:$0x1];
	p0 =	sne.s32 s2, $0x0  }
0x62: {  	s3 =	rddreg [dreg:$0x2];
	[bflag:$0x3] =	sbarrier.arrive $0xFFFF;
	s2 =	simm.s32 @!p0 $0x1C01  }
0x63: {  	[timem:s3], [sflag:s2] =	dma.local @!p0 [hbm:s0], s1  }
0x64: {  	s0 =	simm.s32 @!p0 $0x1  }
0x65: {  	_ =	swait.ge @!p0 [sflag:s0], s1  }
0x66: {  	s1 =	ssub.s32 @!p0 $0x0, s1;
	[sflag:s0] =	ssyncset.done @!p0 $0x0  }
0x67: {  	[sflag:s0] =	ssyncadd.s32 @!p0 s1  }
0x68: {  	[bflag:$0x3] =	sbarrier.arrive $0xFFFF  }
0x69: {  	_ =	shalt  }

// kernel: sparse-core-data-format-call.2.cloned.1.call-start
scs
called_computation.2_lowered:
.L_overlay_start_0:
0x0: {  	s1 =	sld [smem:$0x3FD9]  }
0x1: {  	s2 =	sld [smem:$0x3FFE];
	_ =	sdelay $0x1  }
0x2: {  	s3 =	srdreg.scid  }
0x3: {  	s0 =	sand.u32 $0x1, s3  }
0x4: {  	s17 =	sshll.u32 s0, $0xA;
	s1 =	sadd.s32 s2, s1  }
0x5: {  	s1 =	sadd.s32 s1, s17  }
0x6: {  	[smem:$0x3FBC] =	sst s1  }
0x7: {  	_ = 	snop  }
0x8: {  	(tm) =	ssettm $0x1  }
0x9: {  	s18 =	sld [smem:$0x3FFB];
	_ =	sdelay $0x3  }
0xa: {  	_ =	strace s18  }
0xb: {  	s1 =	sld [smem:$0x3FFC];
	_ =	sdelay $0x3  }
0xc: {  	_ =	strace s1  }
0xd: {  	s1 =	sld [smem:$0x3FFD];
	_ =	sdelay $0x3  }
0xe: {  	_ =	strace s1  }
0xf: {  	_ =	strace $0x8FFFFFFF  }
0x10: {  	s19 =	sld [smem:$0x3FDB];
	_ =	sdelay $0x1  }
0x11: {  	s20 =	simm.s32 $_scs_section_size  }
0x12: {  	s4 =	simm.s32 $_size__tile_overlayer_lowered;
	s5 =	simm.s32 $_tile_overlayer_lowered  }
0x13: {  	s23 =	simm.s32 $0x1BFF;
	s22 =	sshll.u32 s5, $0x1;
	s1 =	sadd.s32 s20, s19  }
0x14: {  	s6 =	simm.s32 $0x0;
	s21 =	sshll.u32 s4, $0x1;
	s4 =	sadd.s32 s22, s1  }
0x15: {  	[timem:s6], [sflag:s23] =	dma.local [hbm:s4], s21  }
0x16: {  	_ =	swait.ge [sflag:s23], s21  }
0x17: {  	s2 =	ssub.s32 $0x0, s21;
	[sflag:s23] =	ssyncset.done $0x0  }
0x18: {  	[sflag:s23] =	ssyncadd.s32 s2;
	_ =	sdelay $0x1  }
0x19: {  	s24 =	simm.s32 $0x1B8B  }
0x1a: {  	_ =	swait.ge [sflag:s24], $0x1  }
0x1b: {  	[sflag:s24] =	ssyncset.done $0x0  }
0x1c: {  	s26 =	simm.s32 $0x1B8E;
	s25 =	sld [smem:$0x3FFE];
	[sflag:s24] =	ssyncadd.s32 $0xFFFFFFFF  }
0x1d: {  	s27 =	simm.s32 $execute0_lowered;
	[smem:$0x3FD2] =	sst s26  }
0x1e: {  	s4 =	sshll.u32 s27, $0x1;
	_ =	strace $0x80000046;
	[dreg:$0x1] =	wrdreg $0xFFFFFFFF  }
0x1f: {  	s28 =	simm.s32 $_size_execute0_lowered;
	s1 =	sadd.s32 s1, s4;
	[dreg:$0x0] =	wrdreg $0x0  }
0x20: {  	s4 =	sshll.u32 s28, $0x1;
	[dreg:$0x2] =	wrdreg s1  }
0x21: {  	[dreg:$0x3] =	wrdreg s4  }
0x22: {  	[dreg:$0x4] =	wrdreg $0xC0  }
0x23: {  	_ =	task [dreg:s6], $0x5FFFF  }
0x24: {  	[dreg:$0x1] =	wrdreg $0xFFFFFFFF  }
0x25: {  	[dreg:$0x0] =	wrdreg $0x60  }
0x26: {  	[dreg:$0x2] =	wrdreg s25  }
0x27: {  	[dreg:$0x3] =	wrdreg $0xA  }
0x28: {  	_ =	task.clear_ibuf [dreg:s6], $0x4FFFF;
	_ =	strace $0x90000046  }
0x29: {  	s29 =	simm.s32 $0xA;
	_ =	strace $0x80000048  }
0x2a: {  	_ =	swait.ge [sflag:s29], $0x1  }
0x2b: {  	[sflag:s29] =	ssyncadd.s32 $0xFFFFFFFF  }
0x2c: {  	_ =	strace $0x90000048  }
0x2d: {  	_ =	sfence  }
0x2e: {  	s30 =	sld [smem:$0x0];
	_ =	sdelay $0x2  }
0x2f: {  	s31 =	sshll.u32 s3, $0xD;
	s3 =	sshrl.u32 s3, $0x2  }
0x30: {  	s2 =	sand.u32 $0x4000, s31;
	s1 =	sadd.s32 s3, s30  }
0x31: {  	s0 =	sor.u32 s2, s0;
	s1 =	sshll.u32 s1, $0x11  }
0x32: {  	s0 =	sor.u32 s1, s0  }
0x33: {  	s0 =	sadd.s32 $0x8F2B, s0  }
0x34: {  	[sflag:s0] =	ssyncadd.remote.s32 $0x1  }
0x35: {  	_ =	sfence.sel $0xFFFF  }
0x36: {  	[dreg:$0x0] =	wrdreg $0xFFFFFFFF;
	(pc) =	sbr.abs _section_cstart, $3  }
0x37: {  	[dreg:$0x1] =	wrdreg $0xFFFFFFFF  }
0x38: {  	_ =	task.clear_ibuf [dreg:s6], $0x2FFFF;
	_ =	strace $0x9FFFFFFF  }
0x39: {  	(tm) =	ssettm $0x7FFFFFFF  }
tec
execute0_lowered:
.L_overlay_start_1:
0x0: {  	(tag) =	ssettag $0x1  }
0x1: {  	s0 =	stileid.u32  }
0x2: {  	s1 =	srdreg.scid;
	s7 =	rddreg [dreg:$0x0];
	s8 =	simm.s32 $0x2  }
0x3: {  	s2 =	sshll.u32 s0, $0x2;
	s3 =	sshll.u32 s0, $0x4;
	s4 =	sshll.u32 s1, $0x8  }
0x4: {  	s16 =	simm.s32 $0x0;
	s1 =	sand.u32 $0x1C, s2;
	s28 =	sor.u32 s3, s4  }
0x5: {  	s9 =	simm.s32 $0x4000;
	s2 =	sand.u32 $0x180, s28;
	s29 =	ssub.s32 $0x20, s1  }
0x6: {  	s10 =	simm.s32 $0x0;
	s30 =	sand.u32 $0x1C, s29;
	s5 =	ssub.s32 $0x400, s2  }
0x7: {  	s4 =	simm.s32 $0x1;
	p0 =	sne.s32 s30, $0x0;
	s6 =	sand.u32 $0x180, s5  }
0x8: {  	s4 =	simm.s32 @!p0 $0x0;
	p0 =	sne.s32 s6, $0x0;
	s6 =	simm.s32 $0x1  }
0x9: {  	s3 =	sshrl.u32 s29, $0x5;
	s5 =	sshrl.u32 s5, $0x9;
	s6 =	simm.s32 @!p0 $0x0  }
0xa: {  	s17 =	simm.s32 $0x0;
	s3 =	sadd.s32 s4, s3;
	s31 =	sadd.s32 s6, s5  }
0xb: {  	s18 =	simm.s32 $0x0;
	s19 =	simm.s32 $0x0;
	s5 =	smul.u32 s31, s3  }
.Ltmp0:
0xc: {  	s12 =	simm.s32 $0x0;
	s14 =	simm.s32 $0x0;
	(pc) =	sbr.rel .LBB1_1-.Ltmp0, $4  }
0xd: {  	s15 =	simm.s32 $0x0;
	s13 =	smov.u32 s1;
	s4 =	simm.s32 $0x1  }
0xe: {  	s3 =	rddreg [dreg:$0x1];
	_ =	strace $0x80000047;
	s5 =	smul.u32 $0x9, s5  }
0xf: {  	s11 =	smov.u32 s2;
	s6 =	sadd.s32 $0x2200, s7;
	[sflag:s4] =	ssyncpa.u1 $0x0  }
0x10: {  	s7 =	sadd.s32 $0x122200, s7;
	[sflag:s8] =	ssyncpa.u1 $0x0;
	s8 =	sadd.s32 $0x1, s5  }
.LBB1_7:
0x11: {  	s20 =	sadd.s32 $0x200, s11  }
0x12: {  	s16 =	sadd.s32 $0x20, s12;
	s21 =	smov.u32 s12;
	p1 =	sgt.s32 s20, $0x3FF  }
0x13: {  	s21 =	smov.u32 @p1 s16  }
0x14: {  	s22 =	smov.u32 s13;
	s16 =	sadd.s32 $0x20, s13;
	p2 =	sgt.s32 s21, $0x1F  }
0x15: {  	s22 =	smov.u32 @p2 s16  }
0x16: {  	s16 =	simm.s32 $0x1;
	p3 =	sgt.s32 s22, $0x1F  }
0x17: {  	s16 =	simm.s32 @!p3 $0x0  }
0x18: {  	p0 =	slt.u32 s15, $0x2;
	s24 =	sadd.s32 s16, s14  }
0x19: {  	s17 =	smov.u32 s12;
	s20 =	smov.u32 @p1 s2;
	p1 =	sgt.s32 s24, $0x8  }
0x1a: {  	s23 =	simm.s32 @!p0 $0x2;
	s24 =	simm.s32 @p1 $0x0;
	p1 =	sne.s32 s15, s8  }
.Ltmp1:
0x1b: {  	s18 =	smov.u32 s13;
	_ =	swait.ge @!p0 [sflag:s23], $0x4000;
	(pc) =	sbr.rel @!p1 .LBB1_8-.Ltmp1, $4  }
0x1c: {  	s19 =	smov.u32 s14;
	[sflag:s23] =	ssyncset.done @!p0 $0x0;
	s21 =	simm.s32 @p2 $0x0  }
0x1d: {  	s10 =	sadd.s32 $0x4000, s10;
	[sflag:s23] =	ssyncadd.s32 @!p0 $0xFFFFC000;
	s12 =	smov.u32 s21  }
0x1e: {  	s22 =	smov.u32 @p3 s1;
	s16 =	smov.u32 s11;
	s11 =	smov.u32 s20  }
0x1f: {  	s13 =	smov.u32 s22;
	s15 =	sadd.s32 $0x1, s15;
	s14 =	smov.u32 s24  }
.LBB1_1:
0x20: {  	p0 =	sge.u32 s15, s5;
	s31 =	sadd.s32 $0xFFFFFFFF, s15  }
0x21: {  	s20 =	sxor.u32 @!p0 $0xFFFFFFFF, s15;
	s21 =	sshll.u32 @!p0 s12, $0x7;
	s22 =	sand.u32 @!p0 $0x78, s11  }
0x22: {  	s24 =	sshll.u32 @!p0 s13, $0xC;
	s20 =	sshll.u32 @!p0 s20, $0xE;
	s23 =	sand.u32 @!p0 $0x380, s21  }
0x23: {  	s21 =	sand.u32 @!p0 $0xC00, s21;
	s22 =	sor.u32 @!p0 s22, s23;
	s23 =	sshll.u32 @!p0 s14, $0x11  }
0x24: {  	s20 =	sand.u32 @!p0 $0x4000, s20;
	s21 =	sadd.s32 @!p0 s11, s21;
	s23 =	sadd.s32 @!p0 s6, s23  }
0x25: {  	s22 =	sshrl.u32 @!p0 s22, $0x3;
	s23 =	sadd.s32 @!p0 s24, s23;
	s24 =	sand.u32 @!p0 $0x7, s11  }
0x26: {  	s21 =	sand.u32 @!p0 $0xF80, s21;
	s22 =	sadd.s32 @!p0 s22, s23;
	s23 =	sshll.u32 @!p0 s24, $0x12  }
0x27: {  	s21 =	sadd.s32 @!p0 s21, s22;
	s22 =	sor.u32 @!p0 $0x400, s23;
	s23 =	simm.s32 @!p0 $0x2000  }
0x28: {  	[tilespmem:s20], [sflag:$0x1] =	stream.strided.gather @!p0 [hbm4b:s21+s22], $0x4000, s23, s22, $0x38;
	[tilespmem:$0x10000] =	vst v63  }
0x29: {  	p0 =	sge.u32 s31, s5  }
.Ltmp2:
0x2a: {  	_ = 	snop;
	(pc) =	sbr.rel @p0 .LBB1_7-.Ltmp2, $1  }
0x2b: {  	_ =	sdelay $0x3  }
0x2c: {  	s20 =	sand.u32 $0x4000, s10  }
0x2d: {  	_ =	swait.ge [sflag:s4], $0x4000;
	s23 =	sshll.u32 s15, $0xE;
	s21 =	sor.u32 $0x70, s20  }
0x2e: {  	s22 =	sor.u32 $0x8040, s20;
	[sflag:s4] =	ssyncset.done $0x0;
	s31 =	sand.u32 $0x4000, s23  }
0x2f: {  	s23 =	simm.s32 $0x0;
	[sflag:s4] =	ssyncadd.s32 $0xFFFFC000;
	s20 =	sor.u32 $0x8000, s31  }
.LBB1_3:
0x30: {  	v1 =	vmov s21;
	_ =	sdelay $0x3  }
0x31: {  	s24 =	simm.s32 $0x0  }
0x32: {  	v7 =	vld.idx.msk [tilespmem:v1+s24+$0x0 ss:$0x1], $0xffff  }
0x33: {  	v0 =	vmov s22;
	v8 =	vld.idx.msk [tilespmem:v1+s24+$0xFFFFFF90 ss:$0x1], $0xffff  }
0x34: {  	v6 =	vld.idx.msk [tilespmem:v1+s24+$0xFFFFFFA0 ss:$0x1], $0xffff  }
0x35: {  	v5 =	vld.idx.msk [tilespmem:v1+s24+$0xFFFFFFB0 ss:$0x1], $0xffff  }
0x36: {  	v4 =	vld.idx.msk [tilespmem:v1+s24+$0xFFFFFFC0 ss:$0x1], $0xffff  }
0x37: {  	v2 =	vld.idx.msk [tilespmem:v1+s24+$0xFFFFFFD0 ss:$0x1], $0xffff  }
0x38: {  	v3 =	vld.idx.msk [tilespmem:v1+s24+$0xFFFFFFE0 ss:$0x1], $0xffff;
	[tilespmem:v0+s24+$0x30 ss:$0x1] =	vst.idx.msk $0xffff, v7  }
0x39: {  	s25 =	simm.s32 $0x80;
	s26 =	simm.s32 $0x400;
	[tilespmem:v0+s24+$0xFFFFFFC0 ss:$0x1] =	vst.idx.msk $0xffff, v8;
	v7 =	vld.idx.msk [tilespmem:v1+s24+$0xFFFFFFF0 ss:$0x1], $0xffff  }
.LBB1_4:
0x3a: {  	p0 =	sne.s32 s26, $0x3E00;
	v8 =	vld.idx.msk [tilespmem:v1+s25+$0x0 ss:$0x1], $0xffff;
	[tilespmem:v0+s24+$0xFFFFFFD0 ss:$0x1] =	vst.idx.msk $0xffff, v6  }
0x3b: {  	v9 =	vld.idx.msk [tilespmem:v1+s25+$0xFFFFFF90 ss:$0x1], $0xffff;
	[tilespmem:v0+s24+$0xFFFFFFE0 ss:$0x1] =	vst.idx.msk $0xffff, v5  }
0x3c: {  	v6 =	vld.idx.msk [tilespmem:v1+s25+$0xFFFFFFA0 ss:$0x1], $0xffff;
	[tilespmem:v0+s24+$0xFFFFFFF0 ss:$0x1] =	vst.idx.msk $0xffff, v4  }
.Ltmp3:
0x3d: {  	v5 =	vld.idx.msk [tilespmem:v1+s25+$0xFFFFFFB0 ss:$0x1], $0xffff;
	[tilespmem:v0+s24+$0x0 ss:$0x1] =	vst.idx.msk $0xffff, v2;
	(pc) =	sbr.rel @p0 .LBB1_4-.Ltmp3, $4  }
0x3e: {  	v4 =	vld.idx.msk [tilespmem:v1+s25+$0xFFFFFFC0 ss:$0x1], $0xffff;
	[tilespmem:v0+s24+$0x10 ss:$0x1] =	vst.idx.msk $0xffff, v3  }
0x3f: {  	v2 =	vld.idx.msk [tilespmem:v1+s25+$0xFFFFFFD0 ss:$0x1], $0xffff;
	[tilespmem:v0+s24+$0x20 ss:$0x1] =	vst.idx.msk $0xffff, v7;
	s24 =	smov.u32 s25  }
0x40: {  	v3 =	vld.idx.msk [tilespmem:v1+s24+$0xFFFFFFE0 ss:$0x1], $0xffff;
	[tilespmem:v0+s24+$0x30 ss:$0x1] =	vst.idx.msk $0xffff, v8  }
0x41: {  	s25 =	sshra.s32 s26, $0x2;
	s26 =	sadd.s32 $0x200, s26;
	[tilespmem:v0+s24+$0xFFFFFFC0 ss:$0x1] =	vst.idx.msk $0xffff, v9;
	v7 =	vld.idx.msk [tilespmem:v1+s24+$0xFFFFFFF0 ss:$0x1], $0xffff  }
0x42: {  	_ =	sdelay $0x3  }
0x43: {  	[tilespmem:v0+s24+$0xFFFFFFD0 ss:$0x1] =	vst.idx.msk $0xffff, v6  }
0x44: {  	v56 =	vld.idx.msk [tilespmem:v1+s25+$0x0 ss:$0x1], $0xffff;
	[tilespmem:v0+s24+$0xFFFFFFE0 ss:$0x1] =	vst.idx.msk $0xffff, v5  }
0x45: {  	v57 =	vld.idx.msk [tilespmem:v1+s25+$0xFFFFFF90 ss:$0x1], $0xffff;
	[tilespmem:v0+s24+$0xFFFFFFF0 ss:$0x1] =	vst.idx.msk $0xffff, v4  }
0x46: {  	v58 =	vld.idx.msk [tilespmem:v1+s25+$0xFFFFFFA0 ss:$0x1], $0xffff;
	[tilespmem:v0+s24+$0x0 ss:$0x1] =	vst.idx.msk $0xffff, v2  }
0x47: {  	v59 =	vld.idx.msk [tilespmem:v1+s25+$0xFFFFFFB0 ss:$0x1], $0xffff;
	[tilespmem:v0+s24+$0x10 ss:$0x1] =	vst.idx.msk $0xffff, v3  }
0x48: {  	v60 =	vld.idx.msk [tilespmem:v1+s25+$0xFFFFFFC0 ss:$0x1], $0xffff;
	[tilespmem:v0+s24+$0x20 ss:$0x1] =	vst.idx.msk $0xffff, v7  }
0x49: {  	v61 =	vld.idx.msk [tilespmem:v1+s25+$0xFFFFFFD0 ss:$0x1], $0xffff;
	[tilespmem:v0+s25+$0x30 ss:$0x1] =	vst.idx.msk $0xffff, v56  }
0x4a: {  	v62 =	vld.idx.msk [tilespmem:v1+s25+$0xFFFFFFE0 ss:$0x1], $0xffff;
	s23 =	sadd.s32 $0x1, s23;
	[tilespmem:v0+s25+$0xFFFFFFC0 ss:$0x1] =	vst.idx.msk $0xffff, v57  }
0x4b: {  	v63 =	vld.idx.msk [tilespmem:v1+s25+$0xFFFFFFF0 ss:$0x1], $0xffff;
	p0 =	sne.s32 s23, $0x4;
	[tilespmem:v0+s25+$0xFFFFFFD0 ss:$0x1] =	vst.idx.msk $0xffff, v58  }
.Ltmp4:
0x4c: {  	[tilespmem:v0+s25+$0xFFFFFFE0 ss:$0x1] =	vst.idx.msk $0xffff, v59;
	(pc) =	sbr.rel @p0 .LBB1_3-.Ltmp4, $4  }
0x4d: {  	[tilespmem:v0+s25+$0xFFFFFFF0 ss:$0x1] =	vst.idx.msk $0xffff, v60  }
0x4e: {  	[tilespmem:v0+s25+$0x0 ss:$0x1] =	vst.idx.msk $0xffff, v61  }
0x4f: {  	[tilespmem:v0+s25+$0x10 ss:$0x1] =	vst.idx.msk $0xffff, v62  }
0x50: {  	s21 =	sadd.s32 $0x1000, s21;
	s22 =	sadd.s32 $0x1000, s22;
	[tilespmem:v0+s25+$0x20 ss:$0x1] =	vst.idx.msk $0xffff, v63  }
0x51: {  	s19 =	sshll.u32 s19, $0x7  }
0x52: {  	s21 =	sand.u32 $0x78, s16;
	s18 =	sshll.u32 s18, $0x10;
	s17 =	sshll.u32 s17, $0xB  }
0x53: {  	s30 =	sand.u32 $0x7, s16;
	s22 =	sand.u32 $0x380, s19;
	s19 =	sand.u32 $0x400, s19  }
.Ltmp5:
0x54: {  	s18 =	sadd.s32 s7, s18;
	s21 =	sor.u32 s22, s21;
	(pc) =	sbr.rel .LBB1_7-.Ltmp5, $4  }
0x55: {  	s19 =	sadd.s32 s16, s19;
	s17 =	sadd.s32 s17, s18;
	s21 =	sshrl.u32 s21, $0x3  }
0x56: {  	s16 =	sshll.u32 s30, $0x12;
	s31 =	sand.u32 $0x780, s19;
	s17 =	sadd.s32 s21, s17  }
0x57: {  	s16 =	sor.u32 $0x80, s16;
	s17 =	sadd.s32 s31, s17  }
0x58: {  	[hbm4b:s17+s16] =	stream.strided.scatter [tilespmem:s20], [sflag:$0x2], $0x4000, s9, s16, $0x38;
	[tilespmem:$0x10000] =	vst v63  }
.LBB1_8:
0x59: {  	_ =	sfence.sel $0x180000  }
0x5a: {  	s1 =	simm.s32 $0x1;
	[bflag:$0x0] =	sbarrier.arrive $0xFFFF  }
0x5b: {  	s31 =	simm.s32 $0x2;
	[sflag:s1] =	ssyncpa.u1 $0x1  }
0x5c: {  	[sflag:s31] =	ssyncpa.u1 $0x1  }
0x5d: {  	p0 =	sne.s32 s0, $0x0;
	_ =	strace $0x90000047  }
0x5e: {  	s0 =	sadd.s32 @!p0 $0x100000, s3;
	[bflag:$0x2] =	sbarrier.arrive $0xFFFF  }
0x5f: {  	[sflag:s0] =	ssyncadd.tile.s32 @!p0 $0x1;
	_ =	shalt  }
.Lfunc_end1:
_tile_overlayer_lowered:
.L_overlay_start_2:
0x60: {  	(tag) =	ssettag $0x2  }
0x61: {  	s0 =	rddreg [dreg:$0x0];
	s2 =	stileid.u32  }
0x62: {  	s1 =	rddreg [dreg:$0x1];
	p0 =	sne.s32 s2, $0x0  }
0x63: {  	s3 =	rddreg [dreg:$0x2];
	[bflag:$0x3] =	sbarrier.arrive $0xFFFF;
	s2 =	simm.s32 @!p0 $0x1C01  }
0x64: {  	[timem:s3], [sflag:s2] =	dma.local @!p0 [hbm:s0], s1  }
0x65: {  	s0 =	simm.s32 @!p0 $0x1  }
0x66: {  	_ =	swait.ge @!p0 [sflag:s0], s1  }
0x67: {  	s1 =	ssub.s32 @!p0 $0x0, s1;
	[sflag:s0] =	ssyncset.done @!p0 $0x0  }
0x68: {  	[sflag:s0] =	ssyncadd.s32 @!p0 s1  }
0x69: {  	[bflag:$0x3] =	sbarrier.arrive $0xFFFF  }
0x6a: {  	_ =	shalt  }

// kernel: sparse-core-data-format-call.cloned.1.call-start
scs
called_computation_lowered:
.L_overlay_start_0:
0x0: {  	s2 =	sld [smem:$0x3FD9]  }
0x1: {  	s3 =	sld [smem:$0x3FFE];
	_ =	sdelay $0x1  }
0x2: {  	s1 =	srdreg.scid  }
0x3: {  	s0 =	sand.u32 $0x1, s1  }
0x4: {  	s18 =	sshll.u32 s0, $0xA;
	s2 =	sadd.s32 s3, s2  }
0x5: {  	s2 =	sadd.s32 s2, s18  }
0x6: {  	[smem:$0x3FBC] =	sst s2  }
0x7: {  	_ = 	snop  }
0x8: {  	s19 =	sld [smem:$0x3FC7];
	(tm) =	ssettm $0x1  }
0x9: {  	s20 =	sld [smem:$0x3FFB];
	_ =	sdelay $0x3  }
0xa: {  	_ =	strace s20  }
0xb: {  	s2 =	sld [smem:$0x3FFC];
	_ =	sdelay $0x3  }
0xc: {  	_ =	strace s2  }
0xd: {  	s2 =	sld [smem:$0x3FFD];
	_ =	sdelay $0x3  }
0xe: {  	_ =	strace s2  }
0xf: {  	_ =	strace $0x8FFFFFFF  }
0x10: {  	s21 =	sld [smem:$0x3FDB];
	_ =	sdelay $0x1  }
0x11: {  	s4 =	simm.s32 $_scs_section_size  }
0x12: {  	s5 =	simm.s32 $_size__tile_overlayer_lowered;
	s6 =	simm.s32 $_tile_overlayer_lowered  }
0x13: {  	s7 =	simm.s32 $0x1BFF;
	s22 =	sshll.u32 s6, $0x1;
	s4 =	sadd.s32 s4, s21  }
0x14: {  	s23 =	simm.s32 $0x0;
	s5 =	sshll.u32 s5, $0x1;
	s6 =	sadd.s32 s22, s4  }
0x15: {  	[timem:s23], [sflag:s7] =	dma.local [hbm:s6], s5  }
0x16: {  	_ =	swait.ge [sflag:s7], s5  }
0x17: {  	s5 =	ssub.s32 $0x0, s5;
	[sflag:s7] =	ssyncset.done $0x0  }
0x18: {  	[sflag:s7] =	ssyncadd.s32 s5;
	_ =	sdelay $0x1  }
0x19: {  	s24 =	simm.s32 $0x1B8B  }
0x1a: {  	_ =	swait.ge [sflag:s24], $0x1  }
0x1b: {  	[sflag:s24] =	ssyncset.done $0x0  }
0x1c: {  	[sflag:s24] =	ssyncadd.s32 $0xFFFFFFFF  }
0x1d: {  	s5 =	sld [smem:$0x0]  }
0x1e: {  	s6 =	sand.u32 $0xFFFFFFFE, s1  }
0x1f: {  	p0 =	sne.s32 s1, s6  }
0x20: {  	s6 =	sshll.u32 @p0 s6, $0xE  }
0x21: {  	s6 =	sadd.s32 @p0 $0x11B8D, s6;
	s7 =	sshll.u32 @p0 s5, $0x11  }
0x22: {  	s6 =	sor.u32 @p0 s7, s6  }
0x23: {  	[sflag:s6] =	ssyncadd.remote.s32 @p0 $0x1;
	_ =	sdelay $0x1  }
0x24: {  	s6 =	simm.s32 @p0 $0x1B8D  }
0x25: {  	_ =	swait.eq @p0 [sflag:s6], $0x1  }
0x26: {  	[sflag:s6] =	ssyncadd.s32 @p0 $0xFFFFFFFF  }
0x27: {  	s7 =	sshll.u32 @!p0 s1, $0xE  }
0x28: {  	s7 =	sor.u32 @!p0 $0x4000, s7;
	s6 =	simm.s32 @!p0 $0x1B8D  }
0x29: {  	s5 =	sshll.u32 @!p0 s5, $0x11;
	s7 =	sadd.s32 @!p0 $0x11B8D, s7;
	_ =	swait.eq @!p0 [sflag:s6], $0x1  }
0x2a: {  	s5 =	sor.u32 @!p0 s5, s7;
	[sflag:s6] =	ssyncadd.s32 @!p0 $0xFFFFFFFF  }
0x2b: {  	s26 =	simm.s32 $0x1B8E;
	s25 =	sld [smem:$0x3FFE];
	[sflag:s5] =	ssyncadd.remote.s32 @!p0 $0x1  }
0x2c: {  	s27 =	simm.s32 $execute0_lowered;
	[smem:$0x3FD2] =	sst s26  }
0x2d: {  	s6 =	sshll.u32 s27, $0x1;
	_ =	strace $0x80000049;
	[dreg:$0x1] =	wrdreg $0xFFFFFFFF  }
0x2e: {  	s28 =	simm.s32 $_size_execute0_lowered;
	s4 =	sadd.s32 s4, s6;
	[dreg:$0x0] =	wrdreg $0x0  }
0x2f: {  	s6 =	sshll.u32 s28, $0x1;
	[dreg:$0x2] =	wrdreg s4  }
0x30: {  	[dreg:$0x3] =	wrdreg s6  }
0x31: {  	[dreg:$0x4] =	wrdreg $0xC0  }
0x32: {  	_ =	task [dreg:s23], $0x5FFFF  }
0x33: {  	[dreg:$0x1] =	wrdreg $0xFFFFFFFF  }
0x34: {  	[dreg:$0x0] =	wrdreg $0x60  }
0x35: {  	[dreg:$0x2] =	wrdreg s19  }
0x36: {  	[dreg:$0x3] =	wrdreg s25  }
0x37: {  	[dreg:$0x4] =	wrdreg $0x9  }
0x38: {  	_ =	task.clear_ibuf [dreg:s23], $0x5FFFF;
	_ =	strace $0x90000049  }
0x39: {  	s29 =	simm.s32 $0x9;
	_ =	strace $0x8000004B  }
0x3a: {  	_ =	swait.ge [sflag:s29], $0x1  }
0x3b: {  	[sflag:s29] =	ssyncadd.s32 $0xFFFFFFFF  }
0x3c: {  	_ =	strace $0x9000004B  }
0x3d: {  	_ =	sfence  }
0x3e: {  	s30 =	sld [smem:$0x0];
	_ =	sdelay $0x2  }
0x3f: {  	s31 =	sshll.u32 s1, $0xD;
	s1 =	sshrl.u32 s1, $0x2  }
0x40: {  	s4 =	sand.u32 $0x4000, s31;
	s1 =	sadd.s32 s1, s30  }
0x41: {  	s0 =	sor.u32 s4, s0;
	s1 =	sshll.u32 s1, $0x11  }
0x42: {  	s0 =	sor.u32 s1, s0  }
0x43: {  	s0 =	sadd.s32 $0x8F2B, s0  }
0x44: {  	[sflag:s0] =	ssyncadd.remote.s32 $0x1  }
0x45: {  	_ =	sfence.sel $0xFFFF  }
0x46: {  	[dreg:$0x0] =	wrdreg $0xFFFFFFFF;
	(pc) =	sbr.abs _section_cstart, $3  }
0x47: {  	[dreg:$0x1] =	wrdreg $0xFFFFFFFF  }
0x48: {  	_ =	task.clear_ibuf [dreg:s23], $0x2FFFF;
	_ =	strace $0x9FFFFFFF  }
0x49: {  	(tm) =	ssettm $0x7FFFFFFF  }
tec
execute0_lowered:
.L_overlay_start_1:
0x0: {  	(tag) =	ssettag $0x1  }
0x1: {  	s0 =	stileid.u32  }
0x2: {  	s1 =	srdreg.scid;
	s6 =	simm.s32 $0x1;
	s7 =	simm.s32 $0x1  }
0x3: {  	s2 =	sshll.u32 s0, $0x7;
	s3 =	sshll.u32 s0, $0x4;
	s4 =	sshll.u32 s1, $0x8  }
0x4: {  	s31 =	rddreg [dreg:$0x1];
	s1 =	sand.u32 $0x380, s2;
	s27 =	sor.u32 s3, s4  }
0x5: {  	s8 =	simm.s32 $0x2;
	s2 =	sand.u32 $0x180, s27;
	s28 =	ssub.s32 $0x400, s1  }
0x6: {  	s17 =	simm.s32 $0x0;
	s29 =	sand.u32 $0x380, s28;
	s5 =	ssub.s32 $0x400, s2  }
0x7: {  	s9 =	simm.s32 $0x2000;
	p0 =	sne.s32 s29, $0x0;
	s30 =	sand.u32 $0x180, s5  }
0x8: {  	s15 =	simm.s32 $0x0;
	s6 =	simm.s32 @!p0 $0x0;
	p0 =	sne.s32 s30, $0x0  }
0x9: {  	s3 =	sshrl.u32 s28, $0xA;
	s5 =	sshrl.u32 s5, $0x9;
	s7 =	simm.s32 @!p0 $0x0  }
0xa: {  	s16 =	simm.s32 $0x0;
	s3 =	sadd.s32 s6, s3;
	s5 =	sadd.s32 s7, s5  }
0xb: {  	s18 =	simm.s32 $0x0;
	s12 =	simm.s32 $0x0;
	s6 =	smul.u32 s5, s3  }
.Ltmp0:
0xc: {  	s13 =	simm.s32 $0x0;
	s4 =	rddreg [dreg:$0x0];
	(pc) =	sbr.rel .LBB1_1-.Ltmp0, $4  }
0xd: {  	s14 =	simm.s32 $0x0;
	s11 =	smov.u32 s1;
	s3 =	rddreg [dreg:$0x2]  }
0xe: {  	_ =	strace $0x8000004A;
	s5 =	simm.s32 $0x1;
	s6 =	smul.u32 $0x9, s6  }
0xf: {  	s10 =	smov.u32 s2;
	p0 =	por $0x0, $0x0;
	[sflag:s5] =	ssyncpa.u1 $0x0  }
0x10: {  	s7 =	sadd.s32 $0x322200, s31;
	[sflag:s8] =	ssyncpa.u1 $0x0;
	s8 =	sadd.s32 $0x1, s6  }
.LBB1_4:
0x11: {  	v5 =	vld [tilespmem:s21+$0xFFFFFFD0];
	[tilespmem:s22+$0x2040 ss:$0x81] =	vst.msk $0xffff, v1  }
0x12: {  	v58 =	vld [tilespmem:s21+$0xFFFFFFE0];
	[tilespmem:s22+$0x2850 ss:$0x81] =	vst.msk $0xffff, v2  }
0x13: {  	s23 =	sshra.s32 s23, $0x2;
	v59 =	vld [tilespmem:s21+$0xFFFFFFF0];
	[tilespmem:s22+$0x3060 ss:$0x81] =	vst.msk $0xffff, v3  }
0x14: {  	v60 =	vld [tilespmem:s21+$0x0];
	[tilespmem:s22+$0x0 ss:$0x81] =	vst.msk $0xffff, v0;
	s20 =	sadd.s32 s23, s20  }
0x15: {  	v61 =	vld [tilespmem:s21+$0x10];
	s26 =	sand.u32 $0x78, s15;
	[tilespmem:s20+$0x3870 ss:$0x81] =	vst.msk $0xffff, v4  }
0x16: {  	s27 =	sshll.u32 s17, $0xA;
	v62 =	vld [tilespmem:s21+$0x20];
	s24 =	sshll.u32 s15, $0x3;
	s28 =	sshll.u32 s17, $0x7;
	[tilespmem:s20+$0x810 ss:$0x81] =	vst.msk $0xffff, v5  }
0x17: {  	v63 =	vld [tilespmem:s21+$0xFFFFFFC0];
	s18 =	smul.u32 $0x60000, s18;
	s16 =	sshll.u32 s16, $0x11;
	s30 =	sand.u32 $0x7, s15;
	[tilespmem:s20+$0x1020 ss:$0x81] =	vst.msk $0xffff, v58  }
0x18: {  	s23 =	sand.u32 $0xFE000, s27;
	s29 =	sand.u32 $0xFFC00, s24;
	s17 =	sand.u32 $0x380, s28;
	[tilespmem:s20+$0x1830 ss:$0x81] =	vst.msk $0xffff, v59  }
0x19: {  	s21 =	sadd.s32 s29, s23;
	s17 =	sor.u32 s26, s17;
	s18 =	sadd.s32 s7, s18;
	[tilespmem:s20+$0x2040 ss:$0x81] =	vst.msk $0xffff, v60  }
0x1a: {  	s21 =	sshrl.u32 s21, $0x3;
	s17 =	sshrl.u32 s17, $0x3;
	s16 =	sadd.s32 s16, s18;
	[tilespmem:s20+$0x2850 ss:$0x81] =	vst.msk $0xffff, v61  }
0x1b: {  	s15 =	sshll.u32 s30, $0x12;
	s31 =	sand.u32 $0x1FF80, s21;
	s16 =	sadd.s32 s17, s16;
	[tilespmem:s20+$0x3060 ss:$0x81] =	vst.msk $0xffff, v62  }
0x1c: {  	s15 =	sor.u32 $0x400, s15;
	[tilespmem:s20+$0x0 ss:$0x81] =	vst.msk $0xffff, v63;
	s16 =	sadd.s32 s31, s16  }
0x1d: {  	[hbm4b:s16+s15] =	stream.strided.scatter [tilespmem:s19], [sflag:$0x2], $0x4000, s9, s15, $0x20;
	[tilespmem:$0x10100] =	vst v63  }
.LBB1_5:
0x1e: {  	s19 =	sadd.s32 $0x200, s10  }
0x1f: {  	s15 =	sadd.s32 $0x400, s11;
	s20 =	smov.u32 s11;
	p2 =	sgt.s32 s19, $0x3FF  }
0x20: {  	s20 =	smov.u32 @p2 s15  }
0x21: {  	s15 =	simm.s32 $0x1;
	p3 =	sgt.s32 s20, $0x3FF  }
0x22: {  	s15 =	simm.s32 @!p3 $0x0  }
0x23: {  	s21 =	sadd.s32 s15, s12  }
0x24: {  	s15 =	simm.s32 $0x1;
	p4 =	sgt.s32 s21, $0x2  }
0x25: {  	s15 =	simm.s32 @!p4 $0x0  }
0x26: {  	p1 =	slt.u32 s14, $0x2;
	s23 =	sadd.s32 s15, s13  }
0x27: {  	s17 =	smov.u32 s10;
	s19 =	smov.u32 @p2 s2;
	p2 =	sgt.s32 s23, $0x2  }
0x28: {  	s22 =	simm.s32 @!p1 $0x2;
	s23 =	simm.s32 @p2 $0x0;
	p2 =	sne.s32 s14, s8  }
.Ltmp1:
0x29: {  	s16 =	smov.u32 s12;
	_ =	swait.ge @!p1 [sflag:s22], $0x4000;
	(pc) =	sbr.rel @!p2 .LBB1_6-.Ltmp1, $4  }
0x2a: {  	s18 =	smov.u32 s13;
	p0 =	por !p0, !p0;
	[sflag:s22] =	ssyncset.done @!p1 $0x0  }
0x2b: {  	s10 =	smov.u32 s19;
	s20 =	smov.u32 @p3 s1;
	[sflag:s22] =	ssyncadd.s32 @!p1 $0xFFFFC000  }
0x2c: {  	s21 =	simm.s32 @p4 $0x0;
	s15 =	smov.u32 s11;
	s11 =	smov.u32 s20  }
0x2d: {  	s12 =	smov.u32 s21;
	s14 =	sadd.s32 $0x1, s14;
	s13 =	smov.u32 s23  }
.LBB1_1:
0x2e: {  	p1 =	sge.u32 s14, s6;
	s31 =	sadd.s32 $0xFFFFFFFF, s14  }
0x2f: {  	s19 =	sxor.u32 @!p1 $0xFFFFFFFF, s14;
	s20 =	sshll.u32 @!p1 s11, $0x7;
	s21 =	sand.u32 @!p1 $0x78, s10  }
0x30: {  	s23 =	smul.u32 @!p1 $0x60000, s13;
	s19 =	sshll.u32 @!p1 s19, $0xE;
	s22 =	sand.u32 @!p1 $0x380, s20  }
0x31: {  	s20 =	sand.u32 @!p1 $0x1FC00, s20;
	s19 =	sand.u32 @!p1 $0x4000, s19;
	s21 =	sor.u32 @!p1 s21, s22  }
0x32: {  	s20 =	sadd.s32 @!p1 s10, s20;
	s22 =	sshll.u32 @!p1 s12, $0x11;
	s23 =	sadd.s32 @!p1 s4, s23  }
0x33: {  	s21 =	sshrl.u32 @!p1 s21, $0x3;
	s22 =	sadd.s32 @!p1 s22, s23;
	s23 =	sand.u32 @!p1 $0x7, s10  }
0x34: {  	s20 =	sand.u32 @!p1 $0x1FF80, s20;
	s21 =	sadd.s32 @!p1 s21, s22;
	s22 =	sshll.u32 @!p1 s23, $0x12  }
0x35: {  	s20 =	sadd.s32 @!p1 s20, s21;
	s21 =	sor.u32 @!p1 $0x400, s22;
	s22 =	simm.s32 @!p1 $0x2000  }
0x36: {  	[tilespmem:s19], [sflag:$0x1] =	stream.strided.gather @!p1 [hbm4b:s20+s21], $0x4000, s22, s21, $0x38;
	[tilespmem:$0x10100] =	vst v63  }
0x37: {  	p1 =	sge.u32 s31, s6  }
.Ltmp2:
0x38: {  	_ = 	snop;
	(pc) =	sbr.rel @p1 .LBB1_5-.Ltmp2, $1  }
0x39: {  	_ =	sdelay $0x3  }
0x3a: {  	s19 =	simm.s32 $0x1  }
0x3b: {  	_ =	swait.ge [sflag:s5], $0x4000;
	s19 =	simm.s32 @!p0 $0x0  }
0x3c: {  	[sflag:s5] =	ssyncset.done $0x0;
	s20 =	sshll.u32 s19, $0xE  }
0x3d: {  	[sflag:s5] =	ssyncadd.s32 $0xFFFFC000;
	s21 =	sor.u32 $0x40, s20  }
0x3e: {  	s19 =	smul.u32 $0x10200, s19;
	v0 =	vld [tilespmem:s21+$0x30]  }
0x3f: {  	v3 =	vld [tilespmem:s21+$0xFFFFFFD0]  }
0x40: {  	s19 =	sshrl.u32 s19, $0x2;
	v4 =	vld [tilespmem:s21+$0xFFFFFFE0]  }
0x41: {  	v5 =	vld [tilespmem:s21+$0xFFFFFFF0];
	s20 =	sor.u32 $0x8000, s19  }
0x42: {  	s31 =	sand.u32 $0x1, s14;
	v1 =	vld [tilespmem:s21+$0x0];
	s22 =	sadd.s32 $0x0, s20  }
0x43: {  	v2 =	vld [tilespmem:s21+$0x10];
	s19 =	smul.u32 $0x10200, s31;
	[tilespmem:s22+$0x3870 ss:$0x81] =	vst.msk $0xffff, v0  }
0x44: {  	[tilespmem:s22+$0x810 ss:$0x81] =	vst.msk $0xffff, v3;
	v3 =	vld [tilespmem:s21+$0x20]  }
0x45: {  	s19 =	sshrl.u32 s19, $0x2;
	v0 =	vld [tilespmem:s21+$0xFFFFFFC0];
	[tilespmem:s22+$0x1020 ss:$0x81] =	vst.msk $0xffff, v4;
	s21 =	sadd.s32 $0x80, s21  }
0x46: {  	s23 =	simm.s32 $0x4;
	s24 =	simm.s32 $0x8;
	s19 =	sor.u32 $0x8000, s19;
	[tilespmem:s22+$0x1830 ss:$0x81] =	vst.msk $0xffff, v5;
	v4 =	vld [tilespmem:s21+$0x30]  }
.LBB1_3:
0x47: {  	p1 =	sne.s32 s24, $0x1FC;
	v5 =	vld [tilespmem:s21+$0xFFFFFFD0];
	[tilespmem:s22+$0x2040 ss:$0x81] =	vst.msk $0xffff, v1  }
0x48: {  	v6 =	vld [tilespmem:s21+$0xFFFFFFE0];
	[tilespmem:s22+$0x2850 ss:$0x81] =	vst.msk $0xffff, v2  }
0x49: {  	s25 =	sshra.s32 s23, $0x2;
	s23 =	smov.u32 s24;
	v7 =	vld [tilespmem:s21+$0xFFFFFFF0];
	[tilespmem:s22+$0x3060 ss:$0x81] =	vst.msk $0xffff, v3  }
.Ltmp3:
0x4a: {  	v1 =	vld [tilespmem:s21+$0x0];
	[tilespmem:s22+$0x0 ss:$0x81] =	vst.msk $0xffff, v0;
	s22 =	sadd.s32 s25, s20;
	(pc) =	sbr.rel @p1 .LBB1_3-.Ltmp3, $4  }
0x4b: {  	v2 =	vld [tilespmem:s21+$0x10];
	[tilespmem:s22+$0x3870 ss:$0x81] =	vst.msk $0xffff, v4  }
0x4c: {  	[tilespmem:s22+$0x810 ss:$0x81] =	vst.msk $0xffff, v5;
	v3 =	vld [tilespmem:s21+$0x20]  }
0x4d: {  	v0 =	vld [tilespmem:s21+$0xFFFFFFC0];
	[tilespmem:s22+$0x1020 ss:$0x81] =	vst.msk $0xffff, v6;
	s21 =	sadd.s32 $0x80, s21  }
0x4e: {  	s24 =	sadd.s32 $0x4, s24;
	v4 =	vld [tilespmem:s21+$0x30];
	[tilespmem:s22+$0x1830 ss:$0x81] =	vst.msk $0xffff, v7  }
.Ltmp4:
0x4f: {  	_ = 	snop;
	(pc) =	sbr.rel .LBB1_4-.Ltmp4, $1  }
0x50: {  	_ =	sdelay $0x3  }
.LBB1_6:
0x51: {  	_ =	sfence.sel $0x180000  }
0x52: {  	s1 =	simm.s32 $0x1;
	[bflag:$0x0] =	sbarrier.arrive $0xFFFF  }
0x53: {  	s31 =	simm.s32 $0x2;
	[sflag:s1] =	ssyncpa.u1 $0x1  }
0x54: {  	[sflag:s31] =	ssyncpa.u1 $0x1  }
0x55: {  	p0 =	sne.s32 s0, $0x0;
	_ =	strace $0x9000004A  }
0x56: {  	s0 =	sadd.s32 @!p0 $0x100000, s3;
	[bflag:$0x2] =	sbarrier.arrive $0xFFFF  }
0x57: {  	[sflag:s0] =	ssyncadd.tile.s32 @!p0 $0x1;
	_ =	shalt  }
.Lfunc_end1:
_tile_overlayer_lowered:
.L_overlay_start_2:
0x58: {  	(tag) =	ssettag $0x2  }
0x59: {  	s0 =	rddreg [dreg:$0x0];
	s2 =	stileid.u32  }
0x5a: {  	s1 =	rddreg [dreg:$0x1];
	p0 =	sne.s32 s2, $0x0  }
0x5b: {  	s3 =	rddreg [dreg:$0x2];
	[bflag:$0x3] =	sbarrier.arrive $0xFFFF;
	s2 =	simm.s32 @!p0 $0x1C01  }
0x5c: {  	[timem:s3], [sflag:s2] =	dma.local @!p0 [hbm:s0], s1  }
0x5d: {  	s0 =	simm.s32 @!p0 $0x1  }
0x5e: {  	_ =	swait.ge @!p0 [sflag:s0], s1  }
0x5f: {  	s1 =	ssub.s32 @!p0 $0x0, s1;
	[sflag:s0] =	ssyncset.done @!p0 $0x0  }
0x60: {  	[sflag:s0] =	ssyncadd.s32 @!p0 s1  }
0x61: {  	[bflag:$0x3] =	sbarrier.arrive $0xFFFF  }
0x62: {  	_ =	shalt  }

</sc_bundles>
